<compile_context>
chip_gen: v7x
topology: tpu7x:2x2x1
jax: 0.10.2.dev20260603
libtpu: 0.0.44.dev20260713+nightly
codegen_flags: <defaults>
</compile_context>

<pallas_src>
import functools

import jax
import jax.numpy as jnp
from jax import lax
from jax.experimental import pallas as pl
from jax.experimental.pallas import tpu as pltpu
from jax.experimental.pallas import tpu_sc as plsc

N_V = 100000
N_D = 64
N_B = 4096
N_S = 50

NC, NS = 2, 16
NW = NC * NS
B = N_B * N_S
BPW = B // NW
GC = 640
NR = BPW // GC

_mesh = plsc.VectorSubcoreMesh(
    core_axis_name="c", subcore_axis_name="s", num_cores=NC, num_subcores=NS
)


@functools.partial(
    pl.kernel,
    out_type=jax.ShapeDtypeStruct((B, N_D), jnp.float32),
    mesh=_mesh,
    scratch_types=[
        pltpu.VMEM((BPW,), jnp.int32),
        pltpu.VMEM((2, GC, N_D), jnp.float32),
        pltpu.SemaphoreType.DMA,
        pltpu.SemaphoreType.DMA,
        pltpu.SemaphoreType.DMA,
        pltpu.SemaphoreType.DMA,
    ],
    compiler_params=pltpu.CompilerParams(use_tc_tiling_on_sc=False),
)
def _embed_gather(idx_hbm, table_hbm, out_hbm, idx_v, rows_v, g0, g1, o0, o1):
    gsems = (g0, g1)
    osems = (o0, o1)
    wid = lax.axis_index("s") * NC + lax.axis_index("c")
    base = wid * BPW
    pltpu.sync_copy(idx_hbm.at[pl.ds(base, BPW)], idx_v)

    def fire(r, g):
        pltpu.async_copy(
            table_hbm.at[idx_v.at[pl.ds(r * GC, GC)]],
            rows_v.at[g],
            gsems[g],
        )

    def drain_gather(g):
        pltpu.make_async_copy(
            out_hbm.at[pl.ds(base, GC)], rows_v.at[g], gsems[g]
        ).wait()

    def write(r, g):
        pltpu.async_copy(
            rows_v.at[g], out_hbm.at[pl.ds(base + r * GC, GC)], osems[g]
        )

    def drain_write(g):
        pltpu.make_async_copy(
            rows_v.at[g], out_hbm.at[pl.ds(base, GC)], osems[g]
        ).wait()

    fire(0, 0)
    fire(1, 1)
    drain_gather(0)
    write(0, 0)

    @pl.loop(1, NR - 1, step=2)
    def _steady(r0):
        for b in range(2):
            r = r0 + b
            g = 1 - b
            og = b
            drain_gather(g)
            drain_write(og)
            fire(r + 1, og)
            write(r, g)

    drain_gather(1)
    drain_write(0)
    write(NR - 1, 1)
    drain_write(1)


def kernel(input, embedding_weight):
    idx = input.astype(jnp.int32).reshape(-1)
    flat = _embed_gather(idx, embedding_weight)
    return flat.reshape(N_B, N_S, N_D)

# --- scband reference (transcript-rebuilt; emitter-appended) ---
"""Pipeline reference for scband-embedding-layer-9302899163626 (READ-ONLY COPY).

The authoritative reference and input builder live on the scoring server;
editing this copy changes nothing except your own understanding.
"""

import jax, jax.numpy as jnp
import numpy as np

N_V = 100000
N_D = 64

def setup_inputs(seed: int = 0) -> dict:
    key = jax.random.key(seed)
    k_tab, k_idx = jax.random.split(key)
    # nn.Embedding weight initialized uniform(-0.25, 0.25)
    table = jax.random.uniform(k_tab, (N_V, N_D), minval=-0.25, maxval=0.25, dtype=jnp.float32)
    # normalize=True: divide each row by its L2 norm (done in __init__)
    norms = jnp.linalg.norm(table, ord=2, axis=1, keepdims=True)
    table = table / norms
    indices = jax.random.randint(k_idx, (4096, 50), 0, N_V, dtype=jnp.int64)
    return {"input": indices, "embedding_weight": table}

def reference(input, embedding_weight):
    # forward: self.embedding(input) -> plain table gather
    return jnp.take(embedding_weight, input, axis=0)

if __name__ == "__main__":
    import jax
    _d = setup_inputs()
    print(jax.jit(kernel)(*tuple(_d.values())))

</pallas_src>

<mosaic_0001>
#map = affine_map<(d0, d1) -> (0)>
#map1 = affine_map<(d0, d1) -> (0, 0)>
module attributes {stable_mosaic.version = 14 : i64} {
  func.func @_embed_gather(%arg0: i32, %arg1: i32, %arg2: memref<204800xi32, #tpu.memory_space<hbm>>, %arg3: memref<100000x64xf32, #tpu.memory_space<hbm>>, %arg4: memref<204800x64xf32, #tpu.memory_space<hbm>>, %arg5: memref<6400xi32, #tpu.memory_space<vmem>>, %arg6: memref<2x640x64xf32, #tpu.memory_space<vmem>>, %arg7: memref<!tpu.dma_semaphore, #tpu.memory_space<semaphore_mem>>, %arg8: memref<!tpu.dma_semaphore, #tpu.memory_space<semaphore_mem>>, %arg9: memref<!tpu.dma_semaphore, #tpu.memory_space<semaphore_mem>>, %arg10: memref<!tpu.dma_semaphore, #tpu.memory_space<semaphore_mem>>) attributes {dimension_semantics = [#tpu.dimension_semantics<core_parallel>, #tpu.dimension_semantics<subcore_parallel>], iteration_bounds = array<i64: 2, 16>, scalar_prefetch = 0 : i64, scratch_operands = 6 : i64, tpu.core_type = #tpu.core_type<sc_vector_subcore>, window_params = [{transform_indices = #map}, {transform_indices = #map1}, {transform_indices = #map1}]} {
    %mul3A = arith.constant 2 : i32
    %mul3A_0 = arith.muli %arg1, %mul3A : i32
    %add3A = arith.addi %mul3A_0, %arg0 : i32
    %mul3A_1 = arith.constant 6400 : i32
    %mul3A_2 = arith.muli %add3A, %mul3A_1 : i32
    "tpu.region"() ({
      %run_scoped3A = tpu.sem_alloc : memref<!tpu.dma_semaphore, #tpu.memory_space<semaphore_mem>>
      %dma_start3A_107 = tpu.memref_slice %arg2[%mul3A_2] : memref<204800xi32, #tpu.memory_space<hbm>> -> memref<6400xi32, #tpu.memory_space<hbm>>
      %dma_start3A_108 = tpu.memref_slice %arg2[%mul3A_2] : memref<204800xi32, #tpu.memory_space<hbm>> -> memref<6400xi32, #tpu.memory_space<hbm>>
      tpu.enqueue_dma source(%dma_start3A_108 : memref<6400xi32, #tpu.memory_space<hbm>>) target(%arg5 : memref<6400xi32, #tpu.memory_space<vmem>>) target_semaphore(%run_scoped3A : memref<!tpu.dma_semaphore, #tpu.memory_space<semaphore_mem>>)
      %dma_wait3A_109 = tpu.memref_slice %arg2[%mul3A_2] : memref<204800xi32, #tpu.memory_space<hbm>> -> memref<6400xi32, #tpu.memory_space<hbm>>
      %dma_wait3A_110 = tpu.memref_slice %arg2[%mul3A_2] : memref<204800xi32, #tpu.memory_space<hbm>> -> memref<6400xi32, #tpu.memory_space<hbm>>
      tpu.wait_dma2 semaphore(%run_scoped3A : memref<!tpu.dma_semaphore, #tpu.memory_space<semaphore_mem>>) src(%dma_wait3A_110 : memref<6400xi32, #tpu.memory_space<hbm>>) dst(%arg5 : memref<6400xi32, #tpu.memory_space<vmem>>)
      tpu.yield
    }) : () -> ()
    %dma_start3A = arith.constant 0 : i32
    %dma_start3A_3 = arith.constant 0 : i32
    %dma_start3A_4 = arith.constant 0 : i32
    %dma_start3A_5 = tpu.memref_slice %arg6[%dma_start3A, %dma_start3A_3, %dma_start3A_4] : memref<2x640x64xf32, #tpu.memory_space<vmem>> -> memref<1x640x64xf32, #tpu.memory_space<vmem>>
    %dma_start3A_6 = tpu.memref_squeeze %dma_start3A_5 : memref<1x640x64xf32, #tpu.memory_space<vmem>> -> memref<640x64xf32, #tpu.memory_space<vmem>>
    %dma_start3A_7 = arith.constant 0 : i32
    %dma_start3A_8 = tpu.memref_slice %arg5[%dma_start3A_7] : memref<6400xi32, #tpu.memory_space<vmem>> -> memref<640xi32, #tpu.memory_space<vmem>>
    %dma_start3A_9 = arith.constant 0 : i32
    %dma_start3A_10 = arith.constant 0 : i32
    %dma_start3A_11 = tpu.memref_slice %arg3[%dma_start3A_9, %dma_start3A_10] : memref<100000x64xf32, #tpu.memory_space<hbm>> -> memref<100000x64xf32, #tpu.memory_space<hbm>>
    tpu.enqueue_indirect_dma source(%dma_start3A_11 : memref<100000x64xf32, #tpu.memory_space<hbm>>) target(%dma_start3A_6 : memref<640x64xf32, #tpu.memory_space<vmem>>) offsets(%dma_start3A_8 : memref<640xi32, #tpu.memory_space<vmem>>) semaphore(%arg7 : memref<!tpu.dma_semaphore, #tpu.memory_space<semaphore_mem>>)
    %dma_start3A_12 = arith.constant 1 : i32
    %dma_start3A_13 = arith.constant 0 : i32
    %dma_start3A_14 = arith.constant 0 : i32
    %dma_start3A_15 = tpu.memref_slice %arg6[%dma_start3A_12, %dma_start3A_13, %dma_start3A_14] : memref<2x640x64xf32, #tpu.memory_space<vmem>> -> memref<1x640x64xf32, #tpu.memory_space<vmem>>
    %dma_start3A_16 = tpu.memref_squeeze %dma_start3A_15 : memref<1x640x64xf32, #tpu.memory_space<vmem>> -> memref<640x64xf32, #tpu.memory_space<vmem>>
    %dma_start3A_17 = arith.constant 640 : i32
    %dma_start3A_18 = tpu.memref_slice %arg5[%dma_start3A_17] : memref<6400xi32, #tpu.memory_space<vmem>> -> memref<640xi32, #tpu.memory_space<vmem>>
    %dma_start3A_19 = arith.constant 0 : i32
    %dma_start3A_20 = arith.constant 0 : i32
    %dma_start3A_21 = tpu.memref_slice %arg3[%dma_start3A_19, %dma_start3A_20] : memref<100000x64xf32, #tpu.memory_space<hbm>> -> memref<100000x64xf32, #tpu.memory_space<hbm>>
    tpu.enqueue_indirect_dma source(%dma_start3A_21 : memref<100000x64xf32, #tpu.memory_space<hbm>>) target(%dma_start3A_16 : memref<640x64xf32, #tpu.memory_space<vmem>>) offsets(%dma_start3A_18 : memref<640xi32, #tpu.memory_space<vmem>>) semaphore(%arg8 : memref<!tpu.dma_semaphore, #tpu.memory_space<semaphore_mem>>)
    %dma_wait3A = arith.constant 0 : i32
    %dma_wait3A_22 = arith.constant 0 : i32
    %dma_wait3A_23 = arith.constant 0 : i32
    %dma_wait3A_24 = tpu.memref_slice %arg6[%dma_wait3A, %dma_wait3A_22, %dma_wait3A_23] : memref<2x640x64xf32, #tpu.memory_space<vmem>> -> memref<1x640x64xf32, #tpu.memory_space<vmem>>
    %dma_wait3A_25 = tpu.memref_squeeze %dma_wait3A_24 : memref<1x640x64xf32, #tpu.memory_space<vmem>> -> memref<640x64xf32, #tpu.memory_space<vmem>>
    %dma_wait3A_26 = arith.constant 0 : i32
    %dma_wait3A_27 = tpu.memref_slice %arg4[%mul3A_2, %dma_wait3A_26] : memref<204800x64xf32, #tpu.memory_space<hbm>> -> memref<640x64xf32, #tpu.memory_space<hbm>>
    %dma_wait3A_28 = arith.constant 0 : i32
    %dma_wait3A_29 = arith.constant 0 : i32
    %dma_wait3A_30 = tpu.memref_slice %arg6[%dma_wait3A, %dma_wait3A_28, %dma_wait3A_29] : memref<2x640x64xf32, #tpu.memory_space<vmem>> -> memref<1x640x64xf32, #tpu.memory_space<vmem>>
    %dma_wait3A_31 = tpu.memref_squeeze %dma_wait3A_30 : memref<1x640x64xf32, #tpu.memory_space<vmem>> -> memref<640x64xf32, #tpu.memory_space<vmem>>
    %dma_wait3A_32 = arith.constant 0 : i32
    %dma_wait3A_33 = tpu.memref_slice %arg4[%mul3A_2, %dma_wait3A_32] : memref<204800x64xf32, #tpu.memory_space<hbm>> -> memref<640x64xf32, #tpu.memory_space<hbm>>
    tpu.wait_dma2 semaphore(%arg7 : memref<!tpu.dma_semaphore, #tpu.memory_space<semaphore_mem>>) src(%dma_wait3A_33 : memref<640x64xf32, #tpu.memory_space<hbm>>) dst(%dma_wait3A_31 : memref<640x64xf32, #tpu.memory_space<vmem>>)
    %add3A_34 = arith.constant 0 : i32
    %add3A_35 = arith.addi %mul3A_2, %add3A_34 : i32
    %dma_start3A_36 = arith.constant 0 : i32
    %dma_start3A_37 = arith.constant 0 : i32
    %dma_start3A_38 = arith.constant 0 : i32
    %dma_start3A_39 = tpu.memref_slice %arg6[%dma_start3A_36, %dma_start3A_37, %dma_start3A_38] : memref<2x640x64xf32, #tpu.memory_space<vmem>> -> memref<1x640x64xf32, #tpu.memory_space<vmem>>
    %dma_start3A_40 = tpu.memref_squeeze %dma_start3A_39 : memref<1x640x64xf32, #tpu.memory_space<vmem>> -> memref<640x64xf32, #tpu.memory_space<vmem>>
    %dma_start3A_41 = arith.constant 0 : i32
    %dma_start3A_42 = tpu.memref_slice %arg4[%add3A_35, %dma_start3A_41] : memref<204800x64xf32, #tpu.memory_space<hbm>> -> memref<640x64xf32, #tpu.memory_space<hbm>>
    %dma_start3A_43 = arith.constant 0 : i32
    %dma_start3A_44 = tpu.memref_slice %arg4[%add3A_35, %dma_start3A_43] : memref<204800x64xf32, #tpu.memory_space<hbm>> -> memref<640x64xf32, #tpu.memory_space<hbm>>
    %dma_start3A_45 = arith.constant 0 : i32
    %dma_start3A_46 = arith.constant 0 : i32
    %dma_start3A_47 = tpu.memref_slice %arg6[%dma_start3A_36, %dma_start3A_45, %dma_start3A_46] : memref<2x640x64xf32, #tpu.memory_space<vmem>> -> memref<1x640x64xf32, #tpu.memory_space<vmem>>
    %dma_start3A_48 = tpu.memref_squeeze %dma_start3A_47 : memref<1x640x64xf32, #tpu.memory_space<vmem>> -> memref<640x64xf32, #tpu.memory_space<vmem>>
    tpu.enqueue_dma source(%dma_start3A_48 : memref<640x64xf32, #tpu.memory_space<vmem>>) target(%dma_start3A_44 : memref<640x64xf32, #tpu.memory_space<hbm>>) target_semaphore(%arg9 : memref<!tpu.dma_semaphore, #tpu.memory_space<semaphore_mem>>)
    %scan3A = arith.constant 0 : i32
    %scan3A_49 = arith.constant 4 : i32
    %scan3A_50 = arith.addi %scan3A, %scan3A_49 : i32
    %scan3A_51 = arith.constant 1 : i32
    scf.for %scan3A_107 = %scan3A to %scan3A_50 step %scan3A_51  : i32 {
      %mul3A_108 = arith.constant 2 : i32
      %mul3A_109 = arith.muli %scan3A_107, %mul3A_108 : i32
      %add3A_110 = arith.constant 1 : i32
      %add3A_111 = arith.addi %add3A_110, %mul3A_109 : i32
      %add3A_112 = arith.constant 0 : i32
      %add3A_113 = arith.addi %add3A_111, %add3A_112 : i32
      %dma_wait3A_114 = arith.constant 1 : i32
      %dma_wait3A_115 = arith.constant 0 : i32
      %dma_wait3A_116 = arith.constant 0 : i32
      %dma_wait3A_117 = tpu.memref_slice %arg6[%dma_wait3A_114, %dma_wait3A_115, %dma_wait3A_116] : memref<2x640x64xf32, #tpu.memory_space<vmem>> -> memref<1x640x64xf32, #tpu.memory_space<vmem>>
      %dma_wait3A_118 = tpu.memref_squeeze %dma_wait3A_117 : memref<1x640x64xf32, #tpu.memory_space<vmem>> -> memref<640x64xf32, #tpu.memory_space<vmem>>
      %dma_wait3A_119 = arith.constant 0 : i32
      %dma_wait3A_120 = tpu.memref_slice %arg4[%mul3A_2, %dma_wait3A_119] : memref<204800x64xf32, #tpu.memory_space<hbm>> -> memref<640x64xf32, #tpu.memory_space<hbm>>
      %dma_wait3A_121 = arith.constant 0 : i32
      %dma_wait3A_122 = arith.constant 0 : i32
      %dma_wait3A_123 = tpu.memref_slice %arg6[%dma_wait3A_114, %dma_wait3A_121, %dma_wait3A_122] : memref<2x640x64xf32, #tpu.memory_space<vmem>> -> memref<1x640x64xf32, #tpu.memory_space<vmem>>
      %dma_wait3A_124 = tpu.memref_squeeze %dma_wait3A_123 : memref<1x640x64xf32, #tpu.memory_space<vmem>> -> memref<640x64xf32, #tpu.memory_space<vmem>>
      %dma_wait3A_125 = arith.constant 0 : i32
      %dma_wait3A_126 = tpu.memref_slice %arg4[%mul3A_2, %dma_wait3A_125] : memref<204800x64xf32, #tpu.memory_space<hbm>> -> memref<640x64xf32, #tpu.memory_space<hbm>>
      tpu.wait_dma2 semaphore(%arg8 : memref<!tpu.dma_semaphore, #tpu.memory_space<semaphore_mem>>) src(%dma_wait3A_126 : memref<640x64xf32, #tpu.memory_space<hbm>>) dst(%dma_wait3A_124 : memref<640x64xf32, #tpu.memory_space<vmem>>)
      %dma_wait3A_127 = arith.constant 0 : i32
      %dma_wait3A_128 = arith.constant 0 : i32
      %dma_wait3A_129 = arith.constant 0 : i32
      %dma_wait3A_130 = tpu.memref_slice %arg6[%dma_wait3A_127, %dma_wait3A_128, %dma_wait3A_129] : memref<2x640x64xf32, #tpu.memory_space<vmem>> -> memref<1x640x64xf32, #tpu.memory_space<vmem>>
      %dma_wait3A_131 = tpu.memref_squeeze %dma_wait3A_130 : memref<1x640x64xf32, #tpu.memory_space<vmem>> -> memref<640x64xf32, #tpu.memory_space<vmem>>
      %dma_wait3A_132 = arith.constant 0 : i32
      %dma_wait3A_133 = tpu.memref_slice %arg4[%mul3A_2, %dma_wait3A_132] : memref<204800x64xf32, #tpu.memory_space<hbm>> -> memref<640x64xf32, #tpu.memory_space<hbm>>
      %dma_wait3A_134 = arith.constant 0 : i32
      %dma_wait3A_135 = tpu.memref_slice %arg4[%mul3A_2, %dma_wait3A_134] : memref<204800x64xf32, #tpu.memory_space<hbm>> -> memref<640x64xf32, #tpu.memory_space<hbm>>
      %dma_wait3A_136 = arith.constant 0 : i32
      %dma_wait3A_137 = arith.constant 0 : i32
      %dma_wait3A_138 = tpu.memref_slice %arg6[%dma_wait3A_127, %dma_wait3A_136, %dma_wait3A_137] : memref<2x640x64xf32, #tpu.memory_space<vmem>> -> memref<1x640x64xf32, #tpu.memory_space<vmem>>
      %dma_wait3A_139 = tpu.memref_squeeze %dma_wait3A_138 : memref<1x640x64xf32, #tpu.memory_space<vmem>> -> memref<640x64xf32, #tpu.memory_space<vmem>>
      tpu.wait_dma2 semaphore(%arg9 : memref<!tpu.dma_semaphore, #tpu.memory_space<semaphore_mem>>) src(%dma_wait3A_139 : memref<640x64xf32, #tpu.memory_space<vmem>>) dst(%dma_wait3A_135 : memref<640x64xf32, #tpu.memory_space<hbm>>)
      %add3A_140 = arith.constant 1 : i32
      %add3A_141 = arith.addi %add3A_113, %add3A_140 : i32
      %mul3A_142 = arith.constant 640 : i32
      %mul3A_143 = arith.muli %add3A_141, %mul3A_142 : i32
      %dma_start3A_144 = arith.constant 0 : i32
      %dma_start3A_145 = arith.constant 0 : i32
      %dma_start3A_146 = arith.constant 0 : i32
      %dma_start3A_147 = tpu.memref_slice %arg6[%dma_start3A_144, %dma_start3A_145, %dma_start3A_146] : memref<2x640x64xf32, #tpu.memory_space<vmem>> -> memref<1x640x64xf32, #tpu.memory_space<vmem>>
      %dma_start3A_148 = tpu.memref_squeeze %dma_start3A_147 : memref<1x640x64xf32, #tpu.memory_space<vmem>> -> memref<640x64xf32, #tpu.memory_space<vmem>>
      %dma_start3A_149 = tpu.memref_slice %arg5[%mul3A_143] : memref<6400xi32, #tpu.memory_space<vmem>> -> memref<640xi32, #tpu.memory_space<vmem>>
      %dma_start3A_150 = arith.constant 0 : i32
      %dma_start3A_151 = arith.constant 0 : i32
      %dma_start3A_152 = tpu.memref_slice %arg3[%dma_start3A_150, %dma_start3A_151] : memref<100000x64xf32, #tpu.memory_space<hbm>> -> memref<100000x64xf32, #tpu.memory_space<hbm>>
      tpu.enqueue_indirect_dma source(%dma_start3A_152 : memref<100000x64xf32, #tpu.memory_space<hbm>>) target(%dma_start3A_148 : memref<640x64xf32, #tpu.memory_space<vmem>>) offsets(%dma_start3A_149 : memref<640xi32, #tpu.memory_space<vmem>>) semaphore(%arg7 : memref<!tpu.dma_semaphore, #tpu.memory_space<semaphore_mem>>)
      %mul3A_153 = arith.constant 640 : i32
      %mul3A_154 = arith.muli %add3A_113, %mul3A_153 : i32
      %add3A_155 = arith.addi %mul3A_2, %mul3A_154 : i32
      %dma_start3A_156 = arith.constant 1 : i32
      %dma_start3A_157 = arith.constant 0 : i32
      %dma_start3A_158 = arith.constant 0 : i32
      %dma_start3A_159 = tpu.memref_slice %arg6[%dma_start3A_156, %dma_start3A_157, %dma_start3A_158] : memref<2x640x64xf32, #tpu.memory_space<vmem>> -> memref<1x640x64xf32, #tpu.memory_space<vmem>>
      %dma_start3A_160 = tpu.memref_squeeze %dma_start3A_159 : memref<1x640x64xf32, #tpu.memory_space<vmem>> -> memref<640x64xf32, #tpu.memory_space<vmem>>
      %dma_start3A_161 = arith.constant 0 : i32
      %dma_start3A_162 = tpu.memref_slice %arg4[%add3A_155, %dma_start3A_161] : memref<204800x64xf32, #tpu.memory_space<hbm>> -> memref<640x64xf32, #tpu.memory_space<hbm>>
      %dma_start3A_163 = arith.constant 0 : i32
      %dma_start3A_164 = tpu.memref_slice %arg4[%add3A_155, %dma_start3A_163] : memref<204800x64xf32, #tpu.memory_space<hbm>> -> memref<640x64xf32, #tpu.memory_space<hbm>>
      %dma_start3A_165 = arith.constant 0 : i32
      %dma_start3A_166 = arith.constant 0 : i32
      %dma_start3A_167 = tpu.memref_slice %arg6[%dma_start3A_156, %dma_start3A_165, %dma_start3A_166] : memref<2x640x64xf32, #tpu.memory_space<vmem>> -> memref<1x640x64xf32, #tpu.memory_space<vmem>>
      %dma_start3A_168 = tpu.memref_squeeze %dma_start3A_167 : memref<1x640x64xf32, #tpu.memory_space<vmem>> -> memref<640x64xf32, #tpu.memory_space<vmem>>
      tpu.enqueue_dma source(%dma_start3A_168 : memref<640x64xf32, #tpu.memory_space<vmem>>) target(%dma_start3A_164 : memref<640x64xf32, #tpu.memory_space<hbm>>) target_semaphore(%arg10 : memref<!tpu.dma_semaphore, #tpu.memory_space<semaphore_mem>>)
      %add3A_169 = arith.constant 1 : i32
      %add3A_170 = arith.addi %add3A_111, %add3A_169 : i32
      %dma_wait3A_171 = arith.constant 0 : i32
      %dma_wait3A_172 = arith.constant 0 : i32
      %dma_wait3A_173 = arith.constant 0 : i32
      %dma_wait3A_174 = tpu.memref_slice %arg6[%dma_wait3A_171, %dma_wait3A_172, %dma_wait3A_173] : memref<2x640x64xf32, #tpu.memory_space<vmem>> -> memref<1x640x64xf32, #tpu.memory_space<vmem>>
      %dma_wait3A_175 = tpu.memref_squeeze %dma_wait3A_174 : memref<1x640x64xf32, #tpu.memory_space<vmem>> -> memref<640x64xf32, #tpu.memory_space<vmem>>
      %dma_wait3A_176 = arith.constant 0 : i32
      %dma_wait3A_177 = tpu.memref_slice %arg4[%mul3A_2, %dma_wait3A_176] : memref<204800x64xf32, #tpu.memory_space<hbm>> -> memref<640x64xf32, #tpu.memory_space<hbm>>
      %dma_wait3A_178 = arith.constant 0 : i32
      %dma_wait3A_179 = arith.constant 0 : i32
      %dma_wait3A_180 = tpu.memref_slice %arg6[%dma_wait3A_171, %dma_wait3A_178, %dma_wait3A_179] : memref<2x640x64xf32, #tpu.memory_space<vmem>> -> memref<1x640x64xf32, #tpu.memory_space<vmem>>
      %dma_wait3A_181 = tpu.memref_squeeze %dma_wait3A_180 : memref<1x640x64xf32, #tpu.memory_space<vmem>> -> memref<640x64xf32, #tpu.memory_space<vmem>>
      %dma_wait3A_182 = arith.constant 0 : i32
      %dma_wait3A_183 = tpu.memref_slice %arg4[%mul3A_2, %dma_wait3A_182] : memref<204800x64xf32, #tpu.memory_space<hbm>> -> memref<640x64xf32, #tpu.memory_space<hbm>>
      tpu.wait_dma2 semaphore(%arg7 : memref<!tpu.dma_semaphore, #tpu.memory_space<semaphore_mem>>) src(%dma_wait3A_183 : memref<640x64xf32, #tpu.memory_space<hbm>>) dst(%dma_wait3A_181 : memref<640x64xf32, #tpu.memory_space<vmem>>)
      %dma_wait3A_184 = arith.constant 1 : i32
      %dma_wait3A_185 = arith.constant 0 : i32
      %dma_wait3A_186 = arith.constant 0 : i32
      %dma_wait3A_187 = tpu.memref_slice %arg6[%dma_wait3A_184, %dma_wait3A_185, %dma_wait3A_186] : memref<2x640x64xf32, #tpu.memory_space<vmem>> -> memref<1x640x64xf32, #tpu.memory_space<vmem>>
      %dma_wait3A_188 = tpu.memref_squeeze %dma_wait3A_187 : memref<1x640x64xf32, #tpu.memory_space<vmem>> -> memref<640x64xf32, #tpu.memory_space<vmem>>
      %dma_wait3A_189 = arith.constant 0 : i32
      %dma_wait3A_190 = tpu.memref_slice %arg4[%mul3A_2, %dma_wait3A_189] : memref<204800x64xf32, #tpu.memory_space<hbm>> -> memref<640x64xf32, #tpu.memory_space<hbm>>
      %dma_wait3A_191 = arith.constant 0 : i32
      %dma_wait3A_192 = tpu.memref_slice %arg4[%mul3A_2, %dma_wait3A_191] : memref<204800x64xf32, #tpu.memory_space<hbm>> -> memref<640x64xf32, #tpu.memory_space<hbm>>
      %dma_wait3A_193 = arith.constant 0 : i32
      %dma_wait3A_194 = arith.constant 0 : i32
      %dma_wait3A_195 = tpu.memref_slice %arg6[%dma_wait3A_184, %dma_wait3A_193, %dma_wait3A_194] : memref<2x640x64xf32, #tpu.memory_space<vmem>> -> memref<1x640x64xf32, #tpu.memory_space<vmem>>
      %dma_wait3A_196 = tpu.memref_squeeze %dma_wait3A_195 : memref<1x640x64xf32, #tpu.memory_space<vmem>> -> memref<640x64xf32, #tpu.memory_space<vmem>>
      tpu.wait_dma2 semaphore(%arg10 : memref<!tpu.dma_semaphore, #tpu.memory_space<semaphore_mem>>) src(%dma_wait3A_196 : memref<640x64xf32, #tpu.memory_space<vmem>>) dst(%dma_wait3A_192 : memref<640x64xf32, #tpu.memory_space<hbm>>)
      %add3A_197 = arith.constant 1 : i32
      %add3A_198 = arith.addi %add3A_170, %add3A_197 : i32
      %mul3A_199 = arith.constant 640 : i32
      %mul3A_200 = arith.muli %add3A_198, %mul3A_199 : i32
      %dma_start3A_201 = arith.constant 1 : i32
      %dma_start3A_202 = arith.constant 0 : i32
      %dma_start3A_203 = arith.constant 0 : i32
      %dma_start3A_204 = tpu.memref_slice %arg6[%dma_start3A_201, %dma_start3A_202, %dma_start3A_203] : memref<2x640x64xf32, #tpu.memory_space<vmem>> -> memref<1x640x64xf32, #tpu.memory_space<vmem>>
      %dma_start3A_205 = tpu.memref_squeeze %dma_start3A_204 : memref<1x640x64xf32, #tpu.memory_space<vmem>> -> memref<640x64xf32, #tpu.memory_space<vmem>>
      %dma_start3A_206 = tpu.memref_slice %arg5[%mul3A_200] : memref<6400xi32, #tpu.memory_space<vmem>> -> memref<640xi32, #tpu.memory_space<vmem>>
      %dma_start3A_207 = arith.constant 0 : i32
      %dma_start3A_208 = arith.constant 0 : i32
      %dma_start3A_209 = tpu.memref_slice %arg3[%dma_start3A_207, %dma_start3A_208] : memref<100000x64xf32, #tpu.memory_space<hbm>> -> memref<100000x64xf32, #tpu.memory_space<hbm>>
      tpu.enqueue_indirect_dma source(%dma_start3A_209 : memref<100000x64xf32, #tpu.memory_space<hbm>>) target(%dma_start3A_205 : memref<640x64xf32, #tpu.memory_space<vmem>>) offsets(%dma_start3A_206 : memref<640xi32, #tpu.memory_space<vmem>>) semaphore(%arg8 : memref<!tpu.dma_semaphore, #tpu.memory_space<semaphore_mem>>)
      %mul3A_210 = arith.constant 640 : i32
      %mul3A_211 = arith.muli %add3A_170, %mul3A_210 : i32
      %add3A_212 = arith.addi %mul3A_2, %mul3A_211 : i32
      %dma_start3A_213 = arith.constant 0 : i32
      %dma_start3A_214 = arith.constant 0 : i32
      %dma_start3A_215 = arith.constant 0 : i32
      %dma_start3A_216 = tpu.memref_slice %arg6[%dma_start3A_213, %dma_start3A_214, %dma_start3A_215] : memref<2x640x64xf32, #tpu.memory_space<vmem>> -> memref<1x640x64xf32, #tpu.memory_space<vmem>>
      %dma_start3A_217 = tpu.memref_squeeze %dma_start3A_216 : memref<1x640x64xf32, #tpu.memory_space<vmem>> -> memref<640x64xf32, #tpu.memory_space<vmem>>
      %dma_start3A_218 = arith.constant 0 : i32
      %dma_start3A_219 = tpu.memref_slice %arg4[%add3A_212, %dma_start3A_218] : memref<204800x64xf32, #tpu.memory_space<hbm>> -> memref<640x64xf32, #tpu.memory_space<hbm>>
      %dma_start3A_220 = arith.constant 0 : i32
      %dma_start3A_221 = tpu.memref_slice %arg4[%add3A_212, %dma_start3A_220] : memref<204800x64xf32, #tpu.memory_space<hbm>> -> memref<640x64xf32, #tpu.memory_space<hbm>>
      %dma_start3A_222 = arith.constant 0 : i32
      %dma_start3A_223 = arith.constant 0 : i32
      %dma_start3A_224 = tpu.memref_slice %arg6[%dma_start3A_213, %dma_start3A_222, %dma_start3A_223] : memref<2x640x64xf32, #tpu.memory_space<vmem>> -> memref<1x640x64xf32, #tpu.memory_space<vmem>>
      %dma_start3A_225 = tpu.memref_squeeze %dma_start3A_224 : memref<1x640x64xf32, #tpu.memory_space<vmem>> -> memref<640x64xf32, #tpu.memory_space<vmem>>
      tpu.enqueue_dma source(%dma_start3A_225 : memref<640x64xf32, #tpu.memory_space<vmem>>) target(%dma_start3A_221 : memref<640x64xf32, #tpu.memory_space<hbm>>) target_semaphore(%arg9 : memref<!tpu.dma_semaphore, #tpu.memory_space<semaphore_mem>>)
    }
    %scan3A_52 = arith.constant 4 : i32
    %dma_wait3A_53 = arith.constant 1 : i32
    %dma_wait3A_54 = arith.constant 0 : i32
    %dma_wait3A_55 = arith.constant 0 : i32
    %dma_wait3A_56 = tpu.memref_slice %arg6[%dma_wait3A_53, %dma_wait3A_54, %dma_wait3A_55] : memref<2x640x64xf32, #tpu.memory_space<vmem>> -> memref<1x640x64xf32, #tpu.memory_space<vmem>>
    %dma_wait3A_57 = tpu.memref_squeeze %dma_wait3A_56 : memref<1x640x64xf32, #tpu.memory_space<vmem>> -> memref<640x64xf32, #tpu.memory_space<vmem>>
    %dma_wait3A_58 = arith.constant 0 : i32
    %dma_wait3A_59 = tpu.memref_slice %arg4[%mul3A_2, %dma_wait3A_58] : memref<204800x64xf32, #tpu.memory_space<hbm>> -> memref<640x64xf32, #tpu.memory_space<hbm>>
    %dma_wait3A_60 = arith.constant 0 : i32
    %dma_wait3A_61 = arith.constant 0 : i32
    %dma_wait3A_62 = tpu.memref_slice %arg6[%dma_wait3A_53, %dma_wait3A_60, %dma_wait3A_61] : memref<2x640x64xf32, #tpu.memory_space<vmem>> -> memref<1x640x64xf32, #tpu.memory_space<vmem>>
    %dma_wait3A_63 = tpu.memref_squeeze %dma_wait3A_62 : memref<1x640x64xf32, #tpu.memory_space<vmem>> -> memref<640x64xf32, #tpu.memory_space<vmem>>
    %dma_wait3A_64 = arith.constant 0 : i32
    %dma_wait3A_65 = tpu.memref_slice %arg4[%mul3A_2, %dma_wait3A_64] : memref<204800x64xf32, #tpu.memory_space<hbm>> -> memref<640x64xf32, #tpu.memory_space<hbm>>
    tpu.wait_dma2 semaphore(%arg8 : memref<!tpu.dma_semaphore, #tpu.memory_space<semaphore_mem>>) src(%dma_wait3A_65 : memref<640x64xf32, #tpu.memory_space<hbm>>) dst(%dma_wait3A_63 : memref<640x64xf32, #tpu.memory_space<vmem>>)
    %dma_wait3A_66 = arith.constant 0 : i32
    %dma_wait3A_67 = arith.constant 0 : i32
    %dma_wait3A_68 = arith.constant 0 : i32
    %dma_wait3A_69 = tpu.memref_slice %arg6[%dma_wait3A_66, %dma_wait3A_67, %dma_wait3A_68] : memref<2x640x64xf32, #tpu.memory_space<vmem>> -> memref<1x640x64xf32, #tpu.memory_space<vmem>>
    %dma_wait3A_70 = tpu.memref_squeeze %dma_wait3A_69 : memref<1x640x64xf32, #tpu.memory_space<vmem>> -> memref<640x64xf32, #tpu.memory_space<vmem>>
    %dma_wait3A_71 = arith.constant 0 : i32
    %dma_wait3A_72 = tpu.memref_slice %arg4[%mul3A_2, %dma_wait3A_71] : memref<204800x64xf32, #tpu.memory_space<hbm>> -> memref<640x64xf32, #tpu.memory_space<hbm>>
    %dma_wait3A_73 = arith.constant 0 : i32
    %dma_wait3A_74 = tpu.memref_slice %arg4[%mul3A_2, %dma_wait3A_73] : memref<204800x64xf32, #tpu.memory_space<hbm>> -> memref<640x64xf32, #tpu.memory_space<hbm>>
    %dma_wait3A_75 = arith.constant 0 : i32
    %dma_wait3A_76 = arith.constant 0 : i32
    %dma_wait3A_77 = tpu.memref_slice %arg6[%dma_wait3A_66, %dma_wait3A_75, %dma_wait3A_76] : memref<2x640x64xf32, #tpu.memory_space<vmem>> -> memref<1x640x64xf32, #tpu.memory_space<vmem>>
    %dma_wait3A_78 = tpu.memref_squeeze %dma_wait3A_77 : memref<1x640x64xf32, #tpu.memory_space<vmem>> -> memref<640x64xf32, #tpu.memory_space<vmem>>
    tpu.wait_dma2 semaphore(%arg9 : memref<!tpu.dma_semaphore, #tpu.memory_space<semaphore_mem>>) src(%dma_wait3A_78 : memref<640x64xf32, #tpu.memory_space<vmem>>) dst(%dma_wait3A_74 : memref<640x64xf32, #tpu.memory_space<hbm>>)
    %add3A_79 = arith.constant 5760 : i32
    %add3A_80 = arith.addi %mul3A_2, %add3A_79 : i32
    %dma_start3A_81 = arith.constant 1 : i32
    %dma_start3A_82 = arith.constant 0 : i32
    %dma_start3A_83 = arith.constant 0 : i32
    %dma_start3A_84 = tpu.memref_slice %arg6[%dma_start3A_81, %dma_start3A_82, %dma_start3A_83] : memref<2x640x64xf32, #tpu.memory_space<vmem>> -> memref<1x640x64xf32, #tpu.memory_space<vmem>>
    %dma_start3A_85 = tpu.memref_squeeze %dma_start3A_84 : memref<1x640x64xf32, #tpu.memory_space<vmem>> -> memref<640x64xf32, #tpu.memory_space<vmem>>
    %dma_start3A_86 = arith.constant 0 : i32
    %dma_start3A_87 = tpu.memref_slice %arg4[%add3A_80, %dma_start3A_86] : memref<204800x64xf32, #tpu.memory_space<hbm>> -> memref<640x64xf32, #tpu.memory_space<hbm>>
    %dma_start3A_88 = arith.constant 0 : i32
    %dma_start3A_89 = tpu.memref_slice %arg4[%add3A_80, %dma_start3A_88] : memref<204800x64xf32, #tpu.memory_space<hbm>> -> memref<640x64xf32, #tpu.memory_space<hbm>>
    %dma_start3A_90 = arith.constant 0 : i32
    %dma_start3A_91 = arith.constant 0 : i32
    %dma_start3A_92 = tpu.memref_slice %arg6[%dma_start3A_81, %dma_start3A_90, %dma_start3A_91] : memref<2x640x64xf32, #tpu.memory_space<vmem>> -> memref<1x640x64xf32, #tpu.memory_space<vmem>>
    %dma_start3A_93 = tpu.memref_squeeze %dma_start3A_92 : memref<1x640x64xf32, #tpu.memory_space<vmem>> -> memref<640x64xf32, #tpu.memory_space<vmem>>
    tpu.enqueue_dma source(%dma_start3A_93 : memref<640x64xf32, #tpu.memory_space<vmem>>) target(%dma_start3A_89 : memref<640x64xf32, #tpu.memory_space<hbm>>) target_semaphore(%arg10 : memref<!tpu.dma_semaphore, #tpu.memory_space<semaphore_mem>>)
    %dma_wait3A_94 = arith.constant 1 : i32
    %dma_wait3A_95 = arith.constant 0 : i32
    %dma_wait3A_96 = arith.constant 0 : i32
    %dma_wait3A_97 = tpu.memref_slice %arg6[%dma_wait3A_94, %dma_wait3A_95, %dma_wait3A_96] : memref<2x640x64xf32, #tpu.memory_space<vmem>> -> memref<1x640x64xf32, #tpu.memory_space<vmem>>
    %dma_wait3A_98 = tpu.memref_squeeze %dma_wait3A_97 : memref<1x640x64xf32, #tpu.memory_space<vmem>> -> memref<640x64xf32, #tpu.memory_space<vmem>>
    %dma_wait3A_99 = arith.constant 0 : i32
    %dma_wait3A_100 = tpu.memref_slice %arg4[%mul3A_2, %dma_wait3A_99] : memref<204800x64xf32, #tpu.memory_space<hbm>> -> memref<640x64xf32, #tpu.memory_space<hbm>>
    %dma_wait3A_101 = arith.constant 0 : i32
    %dma_wait3A_102 = tpu.memref_slice %arg4[%mul3A_2, %dma_wait3A_101] : memref<204800x64xf32, #tpu.memory_space<hbm>> -> memref<640x64xf32, #tpu.memory_space<hbm>>
    %dma_wait3A_103 = arith.constant 0 : i32
    %dma_wait3A_104 = arith.constant 0 : i32
    %dma_wait3A_105 = tpu.memref_slice %arg6[%dma_wait3A_94, %dma_wait3A_103, %dma_wait3A_104] : memref<2x640x64xf32, #tpu.memory_space<vmem>> -> memref<1x640x64xf32, #tpu.memory_space<vmem>>
    %dma_wait3A_106 = tpu.memref_squeeze %dma_wait3A_105 : memref<1x640x64xf32, #tpu.memory_space<vmem>> -> memref<640x64xf32, #tpu.memory_space<vmem>>
    tpu.wait_dma2 semaphore(%arg10 : memref<!tpu.dma_semaphore, #tpu.memory_space<semaphore_mem>>) src(%dma_wait3A_106 : memref<640x64xf32, #tpu.memory_space<vmem>>) dst(%dma_wait3A_102 : memref<640x64xf32, #tpu.memory_space<hbm>>)
    return
  }
}

</mosaic_0001>

<sc_bundles>
// kernel: kernel.3.cloned.1.call-start
scs
__scs_entry_jumppad:
0x0: {  	(pc) =	sbr.rel $0x88, $3  }
0x1: {  	(tag) =	ssettag $0x0;
	lr =	simm.s32 $0x1  }
0x2: {  	[smem:$0x3F9F] =	sst lr;
	_ =	strace $0xD0000000  }
0x3: {  	_ = 	snop  }
0x4: {  	_ = 	snop  }
0x5: {  	_ = 	snop  }
0x6: {  	_ = 	snop  }
0x7: {  	_ = 	snop  }
__scs_overlays_trampoline_lowered:
0x8: {  	[smem:$0x3FAE] =	sst s0  }
0x9: {  	[smem:$0x3FAF] =	sst s1  }
0xa: {  	[smem:$0x3FB0] =	sst s2  }
0xb: {  	[smem:$0x3FB1] =	sst s3  }
0xc: {  	[smem:$0x3FB2] =	sst s4  }
0xd: {  	[smem:$0x3FB3] =	sst s5  }
0xe: {  	[smem:$0x3FB4] =	sst s6  }
0xf: {  	[smem:$0x3FB5] =	sst s7  }
0x10: {  	[smem:$0x3FB6] =	sst s8  }
0x11: {  	[smem:$0x3FB7] =	sst s9;
	s0 =	simm.s32 @!p0 $0x0  }
0x12: {  	s1 =	sld [smem:$0x3F9D];
	s0 =	simm.s32 @p0 $0x1  }
0x13: {  	[smem:$0x3FB8] =	sst s0;
	s0 =	simm.s32 @!p1 $0x0  }
0x14: {  	s2 =	sld [smem:$0x3F9C];
	s0 =	simm.s32 @p1 $0x1  }
0x15: {  	[smem:$0x3FB9] =	sst s0;
	s0 =	simm.s32 @!p2 $0x0  }
0x16: {  	s3 =	sld [smem:$0x3FDB];
	s0 =	simm.s32 @p2 $0x1  }
0x17: {  	s4 =	simm.s32 $0x1BF5;
	[smem:$0x3FBB] =	sst s0  }
0x18: {  	s0 =	sld [smem:$0x3F9E];
	_ =	swait.ge [sflag:s4], $0x0  }
0x19: {  	s7 =	sld [smem:$0x3F9F]  }
0x1a: {  	s8 =	sadd.s32 $0xFFFFE003, lr  }
0x1b: {  	s9 =	sadd.s32 $0xFFFFFEF7, lr;
	s5 =	simm.s32 $0xFFFFFFFF;
	p2 =	slt.u32 s8, $0xFFFFF086  }
0x1c: {  	p1 =	slt.u32 s9, $0xF7A;
	s5 =	simm.s32 @!p2 $0x0  }
0x1d: {  	s5 =	simm.s32 @p1 $0x1;
	p0 =	seq.s32 s7, s2  }
0x1e: {  	s7 =	smul.u32 @!p0 $0xF7A, s2;
	p2 =	seq.s32 @!p0 s5, $0x0  }
0x1f: {  	s9 =	smul.u32 $0xF7A, s1;
	s8 =	simm.s32 @!p0 $0x1BF5;
	p2 =	por !p2, p0  }
0x20: {  	[sflag:s8] =	ssyncset.s32 @!p0 $0xFFFFF086;
	s6 =	sadd.s32 @!p0 s3, s7;
	s7 =	simm.s32 @!p0 $0x108  }
0x21: {  	s3 =	sadd.s32 s3, s9;
	s6 =	sadd.s32 @!p0 $0x88, s6;
	s7 =	simm.s32 @p2 $0x1082  }
0x22: {  	[simem:s7], [sflag:s8] =	dma.local @!p0 [hbm:s6], $0xF7A  }
0x23: {  	s9 =	sor.u32 $0xD0000000, s2;
	s6 =	simm.s32 $0x108;
	_ =	swait.ge @!p0 [sflag:s8], $0x0  }
0x24: {  	s3 =	sadd.s32 $0x88, s3;
	s6 =	simm.s32 @!p1 $0x1082;
	[sflag:s4] =	ssyncset.s32 $0xFFFFF086  }
0x25: {  	[simem:s6], [sflag:s4] =	dma.local [hbm:s3], $0xF7A  }
0x26: {  	[smem:$0x3F9F] =	sst s1;
	(tag) =	ssettag s2;
	_ =	strace s9  }
0x27: {  	s1 =	sld [smem:$0x3FAF]  }
0x28: {  	s2 =	sld [smem:$0x3FB0]  }
0x29: {  	s4 =	sld [smem:$0x3FB2]  }
0x2a: {  	p0 =	seq.s32 s5, $0x0;
	s5 =	sld [smem:$0x3FB3]  }
0x2b: {  	s6 =	sld [smem:$0x3FB4]  }
0x2c: {  	s7 =	sld [smem:$0x3FB5]  }
0x2d: {  	s3 =	simm.s32 $0x108;
	s8 =	sld [smem:$0x3FB6]  }
0x2e: {  	s3 =	simm.s32 @!p0 $0x1082;
	s9 =	sld [smem:$0x3FB7]  }
0x2f: {  	lr =	sadd.s32 s0, s3;
	s0 =	sld [smem:$0x3FAE]  }
0x30: {  	s3 =	sld [smem:$0x3FB1]  }
0x31: {  	[smem:$0x3FBA] =	sst s10  }
0x32: {  	s10 =	sld [smem:$0x3FB8];
	_ =	sdelay $0x3  }
0x33: {  	p0 =	seq.s32 s10, $0x1;
	s10 =	sld [smem:$0x3FBA];
	_ =	sdelay $0x3  }
0x34: {  	[smem:$0x3FBA] =	sst s10  }
0x35: {  	s10 =	sld [smem:$0x3FB9];
	_ =	sdelay $0x3  }
0x36: {  	p1 =	seq.s32 s10, $0x1;
	s10 =	sld [smem:$0x3FBA];
	_ =	sdelay $0x3  }
0x37: {  	[smem:$0x3FBA] =	sst s10  }
0x38: {  	s10 =	sld [smem:$0x3FBB]  }
0x39: {  	_ = 	snop;
	(pc) =	sbr.ind lr, $3  }
0x3a: {  	_ = 	snop  }
0x3b: {  	_ = 	snop  }
0x3c: {  	p2 =	seq.s32 s10, $0x1;
	s10 =	sld [smem:$0x3FBA]  }
0x3d: {  	_ =	shalt  }
0x3e: {  	_ =	shalt  }
0x3f: {  	_ =	shalt  }
0x40: {  	_ =	shalt  }
0x41: {  	_ =	shalt  }
0x42: {  	_ =	shalt  }
0x43: {  	_ =	shalt  }
0x44: {  	_ =	shalt  }
0x45: {  	_ =	shalt  }
0x46: {  	_ =	shalt  }
0x47: {  	_ =	shalt  }
0x48: {  	_ =	shalt  }
0x49: {  	_ =	shalt  }
0x4a: {  	_ =	shalt  }
0x4b: {  	_ =	shalt  }
0x4c: {  	_ =	shalt  }
0x4d: {  	_ =	shalt  }
0x4e: {  	_ =	shalt  }
0x4f: {  	_ =	shalt  }
0x50: {  	_ =	shalt  }
0x51: {  	_ =	shalt  }
0x52: {  	_ =	shalt  }
0x53: {  	_ =	shalt  }
0x54: {  	_ =	shalt  }
0x55: {  	_ =	shalt  }
0x56: {  	_ =	shalt  }
0x57: {  	_ =	shalt  }
0x58: {  	_ =	shalt  }
0x59: {  	_ =	shalt  }
0x5a: {  	_ =	shalt  }
0x5b: {  	_ =	shalt  }
0x5c: {  	_ =	shalt  }
0x5d: {  	_ =	shalt  }
0x5e: {  	_ =	shalt  }
0x5f: {  	_ =	shalt  }
0x60: {  	_ =	shalt  }
0x61: {  	_ =	shalt  }
0x62: {  	_ =	shalt  }
0x63: {  	_ =	shalt  }
0x64: {  	_ =	shalt  }
0x65: {  	_ =	shalt  }
0x66: {  	_ =	shalt  }
0x67: {  	_ =	shalt  }
0x68: {  	_ =	shalt  }
0x69: {  	_ =	shalt  }
0x6a: {  	_ =	shalt  }
0x6b: {  	_ =	shalt  }
0x6c: {  	_ =	shalt  }
0x6d: {  	_ =	shalt  }
0x6e: {  	_ =	shalt  }
0x6f: {  	_ =	shalt  }
0x70: {  	_ =	shalt  }
0x71: {  	_ =	shalt  }
0x72: {  	_ =	shalt  }
0x73: {  	_ =	shalt  }
0x74: {  	_ =	shalt  }
0x75: {  	_ =	shalt  }
0x76: {  	_ =	shalt  }
0x77: {  	_ =	shalt  }
0x78: {  	_ =	shalt  }
0x79: {  	_ =	shalt  }
0x7a: {  	_ =	shalt  }
0x7b: {  	_ =	shalt  }
0x7c: {  	_ =	shalt  }
0x7d: {  	_ =	shalt  }
0x7e: {  	_ =	shalt  }
0x7f: {  	_ =	shalt  }
0x80: {  	_ =	shalt  }
0x81: {  	_ =	shalt  }
0x82: {  	_ =	shalt  }
0x83: {  	_ =	shalt  }
0x84: {  	_ =	shalt  }
0x85: {  	_ =	shalt  }
0x86: {  	_ =	shalt  }
0x87: {  	_ =	shalt  }
.Lfunc_end0:
.L_simem_size_0:
called_computation.1_lowered:
.L_overlay_start_0:
0x88: {  	s2 =	sld [smem:$0x3FD9]  }
0x89: {  	s3 =	sld [smem:$0x3FFE];
	_ =	sdelay $0x1  }
0x8a: {  	s1 =	srdreg.scid  }
0x8b: {  	s0 =	sand.u32 $0x1, s1  }
0x8c: {  	s17 =	sshll.u32 s0, $0xA;
	s2 =	sadd.s32 s3, s2  }
0x8d: {  	s2 =	sadd.s32 s2, s17  }
0x8e: {  	[smem:$0x3FC6] =	sst s2  }
0x8f: {  	_ = 	snop  }
0x90: {  	s2 =	sld [smem:$0x3FD0];
	(tm) =	ssettm $0x1  }
0x91: {  	s18 =	sld [smem:$0x3FFB];
	_ =	sdelay $0x3  }
0x92: {  	_ =	strace s18  }
0x93: {  	s3 =	sld [smem:$0x3FFC];
	_ =	sdelay $0x3  }
0x94: {  	_ =	strace s3  }
0x95: {  	s3 =	sld [smem:$0x3FFD];
	_ =	sdelay $0x3  }
0x96: {  	_ =	strace s3  }
0x97: {  	_ =	strace $0x8FFFFFFF  }
0x98: {  	s19 =	sld [smem:$0x3FDB];
	_ =	sdelay $0x1  }
0x99: {  	s4 =	simm.s32 $_scs_section_size  }
0x9a: {  	s5 =	simm.s32 $_size__tile_overlayer_lowered;
	s6 =	simm.s32 $_tile_overlayer_lowered  }
0x9b: {  	s22 =	simm.s32 $0x1BFF;
	s21 =	sshll.u32 s6, $0x1;
	s3 =	sadd.s32 s4, s19  }
0x9c: {  	s7 =	simm.s32 $0x0;
	s20 =	sshll.u32 s5, $0x1;
	s5 =	sadd.s32 s21, s3  }
0x9d: {  	[timem:s7], [sflag:s22] =	dma.local [hbm:s5], s20  }
0x9e: {  	_ =	swait.ge [sflag:s22], s20  }
0x9f: {  	s4 =	ssub.s32 $0x0, s20;
	[sflag:s22] =	ssyncset.done $0x0  }
0xa0: {  	[sflag:s22] =	ssyncadd.s32 s4;
	_ =	sdelay $0x1  }
0xa1: {  	s23 =	simm.s32 $0x1B8B  }
0xa2: {  	_ =	swait.ge [sflag:s23], $0x1  }
0xa3: {  	[sflag:s23] =	ssyncset.done $0x0  }
0xa4: {  	s25 =	simm.s32 $0x1B8E;
	s24 =	sld [smem:$0x3FFE];
	[sflag:s23] =	ssyncadd.s32 $0xFFFFFFFF  }
0xa5: {  	s26 =	simm.s32 $execute0_lowered;
	[smem:$0x3FD2] =	sst s25  }
0xa6: {  	s5 =	sshll.u32 s26, $0x1;
	_ =	strace $0x80000046;
	[dreg:$0x1] =	wrdreg $0xFFFFFFFF  }
0xa7: {  	s28 =	simm.s32 $_size_execute0_lowered;
	s3 =	sadd.s32 s3, s5;
	[dreg:$0x0] =	wrdreg $0x0  }
0xa8: {  	s5 =	sshll.u32 s28, $0x1;
	[dreg:$0x2] =	wrdreg s3  }
0xa9: {  	[dreg:$0x3] =	wrdreg s5  }
0xaa: {  	[dreg:$0x4] =	wrdreg $0xC0  }
0xab: {  	_ =	task [dreg:s7], $0x5FFFF  }
0xac: {  	[dreg:$0x1] =	wrdreg $0xFFFFFFFF  }
0xad: {  	[dreg:$0x0] =	wrdreg $0x60  }
0xae: {  	[dreg:$0x2] =	wrdreg s24  }
0xaf: {  	[dreg:$0x3] =	wrdreg s2  }
0xb0: {  	[dreg:$0x4] =	wrdreg $0x9  }
0xb1: {  	_ =	task.clear_ibuf [dreg:s7], $0x5FFFF;
	_ =	strace $0x90000046  }
0xb2: {  	s29 =	simm.s32 $0x9;
	_ =	strace $0x80000048  }
0xb3: {  	_ =	swait.ge [sflag:s29], $0x1  }
0xb4: {  	[sflag:s29] =	ssyncadd.s32 $0xFFFFFFFF  }
0xb5: {  	_ =	strace $0x90000048  }
0xb6: {  	_ =	sfence  }
0xb7: {  	s30 =	sld [smem:$0x0];
	_ =	sdelay $0x2  }
0xb8: {  	s31 =	sshll.u32 s1, $0xD;
	s1 =	sshrl.u32 s1, $0x2  }
0xb9: {  	s3 =	sand.u32 $0x4000, s31;
	s1 =	sadd.s32 s1, s30  }
0xba: {  	s0 =	sor.u32 s3, s0;
	s1 =	sshll.u32 s1, $0x11  }
0xbb: {  	s0 =	sor.u32 s1, s0  }
0xbc: {  	s0 =	sadd.s32 $0x8F2B, s0  }
0xbd: {  	[sflag:s0] =	ssyncadd.remote.s32 $0x1  }
0xbe: {  	_ =	sfence.sel $0xFFFF  }
0xbf: {  	[dreg:$0x0] =	wrdreg $0xFFFFFFFF;
	(pc) =	sbr.abs _section_cstart, $3  }
0xc0: {  	[dreg:$0x1] =	wrdreg $0xFFFFFFFF  }
0xc1: {  	_ =	task.clear_ibuf [dreg:s7], $0x2FFFF;
	_ =	strace $0x9FFFFFFF  }
0xc2: {  	(tm) =	ssettm $0x7FFFFFFF  }
0xc3: {  	_ =	shalt  }
tec
execute0_lowered:
.L_overlay_start_1:
0x0: {  	(tag) =	ssettag $0x1  }
0x1: {  	s1 =	rddreg [dreg:$0x0]  }
0x2: {  	s2 =	srdreg.scid;
	s0 =	stileid.u32  }
0x3: {  	s4 =	rddreg [dreg:$0x1];
	s30 =	simm.s32 $0x5;
	s9 =	simm.s32 $0x280  }
0x4: {  	s10 =	simm.s32 $0x1900;
	s13 =	simm.s32 $0x1;
	s11 =	simm.s32 $0x2  }
0x5: {  	s29 =	simm.s32 $0x500;
	s28 =	simm.s32 $0x780;
	p0 =	por $0x0, $0x0  }
0x6: {  	s23 =	simm.s32 $0xC80;
	s3 =	sand.u32 $0x1, s2;
	s5 =	sshll.u32 s0, $0x1  }
0x7: {  	s21 =	simm.s32 $0xF00;
	s19 =	simm.s32 $0x1180;
	s5 =	sor.u32 s3, s5  }
0x8: {  	s17 =	simm.s32 $0x1400;
	s2 =	simm.s32 $0x0;
	s6 =	smul.u32 $0x320, s5  }
0x9: {  	s15 =	simm.s32 $0x1680;
	[smem:$0x7FF] =	sst s2;
	s8 =	smul.u32 $0x64000, s5  }
0xa: {  	s7 =	ssub.s32 $0x2, s3;
	s3 =	sadd.s32 $0x6C00, s1;
	s5 =	smul.u32 $0xC800, s5  }
0xb: {  	_ =	strace $0x80000047;
	s24 =	sshrl.u32 s7, $0x1;
	s6 =	sadd.s32 s6, s1  }
0xc: {  	s1 =	ssub.s32 s7, s24;
	s25 =	sshrl.u32 s8, $0x3;
	s26 =	sadd.s32 s4, s5  }
0xd: {  	s5 =	simm.s32 $0xB900;
	s8 =	simm.s32 $0x3;
	s1 =	smax.u32 s1, $0x1  }
0xe: {  	s6 =	sadd.s32 $0x800, s6;
	s4 =	sadd.s32 s4, s25;
	p1 =	sne.s32 s1, $0x1  }
.Ltmp0:
0xf: {  	s24 =	sadd.s32 $0x1400, s26;
	s22 =	sadd.s32 $0x2800, s26;
	(pc) =	sbr.rel @!p1 .LBB2_3-.Ltmp0, $4  }
0x10: {  	s20 =	sadd.s32 $0x3C00, s26;
	s18 =	sadd.s32 $0x5000, s26;
	s16 =	sadd.s32 $0x6400, s26  }
0x11: {  	s14 =	sadd.s32 $0x7800, s26;
	s12 =	sadd.s32 $0x8C00, s26;
	s7 =	sadd.s32 $0xA000, s26  }
0x12: {  	s25 =	simm.s32 $0xA00;
	[dreg:$0x3] =	wrdreg s6;
	s4 =	sadd.s32 $0xB400, s4  }
0x13: {  	s6 =	simm.s32 $0x4;
	s31 =	sadd.s32 $0xFFFFFFFF, s1;
	s1 =	rddreg [dreg:$0x3]  }
0x14: {  	[tilespmem:s2], [sflag:$0x5] =	stream.linear.gather [hbm4b:s1+s2], $0x1900, $0x38;
	[tilespmem:$0x15900] =	vst v63  }
0x15: {  	_ =	swait.ge [sflag:s30], $0x1900  }
0x16: {  	[sflag:s30] =	ssyncset.done $0x0  }
0x17: {  	[sflag:s30] =	ssyncadd.s32 $0xFFFFE700  }
0x18: {  	[tilespmem:s10], [sflag:$0x1] =	stream.indirect.gather [hbm4b:s3+s9], $0x40, s2, s9, $0xb8;
	[tilespmem:$0x15900] =	vst v63  }
0x19: {  	_ = 	snop  }
0x1a: {  	[tilespmem:s5], [sflag:$0x2] =	stream.indirect.gather [hbm4b:s3+s9], $0x40, s9, s9, $0xb8;
	[tilespmem:$0x15900] =	vst v63  }
0x1b: {  	_ =	swait.ge [sflag:s13], $0xA000  }
0x1c: {  	[sflag:s13] =	ssyncset.done $0x0  }
0x1d: {  	[sflag:s13] =	ssyncadd.s32 $0xFFFF6000  }
0x1e: {  	[hbm4b:s26+s2] =	stream.linear.scatter [tilespmem:s10], [sflag:$0x3], $0xA000, $0x38;
	[tilespmem:$0x15900] =	vst v63  }
0x1f: {  	_ =	swait.ge [sflag:s11], $0xA000  }
0x20: {  	[sflag:s11] =	ssyncset.done $0x0  }
0x21: {  	[sflag:s11] =	ssyncadd.s32 $0xFFFF6000  }
0x22: {  	_ =	swait.ge [sflag:s8], $0xA000  }
0x23: {  	[sflag:s8] =	ssyncset.done $0x0  }
0x24: {  	[sflag:s8] =	ssyncadd.s32 $0xFFFF6000  }
0x25: {  	[tilespmem:s10], [sflag:$0x1] =	stream.indirect.gather [hbm4b:s3+s9], $0x40, s29, s9, $0xb8;
	[tilespmem:$0x15900] =	vst v63  }
0x26: {  	_ = 	snop  }
0x27: {  	[hbm4b:s24+s2] =	stream.linear.scatter [tilespmem:s5], [sflag:$0x4], $0xA000, $0x38;
	[tilespmem:$0x15900] =	vst v63  }
0x28: {  	_ =	swait.ge [sflag:s13], $0xA000  }
0x29: {  	[sflag:s13] =	ssyncset.done $0x0  }
0x2a: {  	[sflag:s13] =	ssyncadd.s32 $0xFFFF6000  }
0x2b: {  	_ =	swait.ge [sflag:s6], $0xA000  }
0x2c: {  	[sflag:s6] =	ssyncset.done $0x0  }
0x2d: {  	[sflag:s6] =	ssyncadd.s32 $0xFFFF6000  }
0x2e: {  	[tilespmem:s5], [sflag:$0x2] =	stream.indirect.gather [hbm4b:s3+s9], $0x40, s28, s9, $0xb8;
	[tilespmem:$0x15900] =	vst v63  }
0x2f: {  	_ = 	snop  }
0x30: {  	[hbm4b:s22+s2] =	stream.linear.scatter [tilespmem:s10], [sflag:$0x3], $0xA000, $0x38;
	[tilespmem:$0x15900] =	vst v63  }
0x31: {  	_ =	swait.ge [sflag:s11], $0xA000  }
0x32: {  	[sflag:s11] =	ssyncset.done $0x0  }
0x33: {  	[sflag:s11] =	ssyncadd.s32 $0xFFFF6000  }
0x34: {  	_ =	swait.ge [sflag:s8], $0xA000  }
0x35: {  	[sflag:s8] =	ssyncset.done $0x0  }
0x36: {  	[sflag:s8] =	ssyncadd.s32 $0xFFFF6000  }
0x37: {  	[tilespmem:s10], [sflag:$0x1] =	stream.indirect.gather [hbm4b:s3+s9], $0x40, s25, s9, $0xb8;
	[tilespmem:$0x15900] =	vst v63  }
0x38: {  	_ = 	snop  }
0x39: {  	[hbm4b:s20+s2] =	stream.linear.scatter [tilespmem:s5], [sflag:$0x4], $0xA000, $0x38;
	[tilespmem:$0x15900] =	vst v63  }
0x3a: {  	_ =	swait.ge [sflag:s13], $0xA000  }
0x3b: {  	[sflag:s13] =	ssyncset.done $0x0  }
0x3c: {  	[sflag:s13] =	ssyncadd.s32 $0xFFFF6000  }
0x3d: {  	_ =	swait.ge [sflag:s6], $0xA000  }
0x3e: {  	[sflag:s6] =	ssyncset.done $0x0  }
0x3f: {  	[sflag:s6] =	ssyncadd.s32 $0xFFFF6000  }
0x40: {  	[tilespmem:s5], [sflag:$0x2] =	stream.indirect.gather [hbm4b:s3+s9], $0x40, s23, s9, $0xb8;
	[tilespmem:$0x15900] =	vst v63  }
0x41: {  	_ = 	snop  }
0x42: {  	[hbm4b:s18+s2] =	stream.linear.scatter [tilespmem:s10], [sflag:$0x3], $0xA000, $0x38;
	[tilespmem:$0x15900] =	vst v63  }
0x43: {  	_ =	swait.ge [sflag:s11], $0xA000  }
0x44: {  	[sflag:s11] =	ssyncset.done $0x0  }
0x45: {  	[sflag:s11] =	ssyncadd.s32 $0xFFFF6000  }
0x46: {  	_ =	swait.ge [sflag:s8], $0xA000  }
0x47: {  	[sflag:s8] =	ssyncset.done $0x0  }
0x48: {  	[sflag:s8] =	ssyncadd.s32 $0xFFFF6000  }
0x49: {  	[tilespmem:s10], [sflag:$0x1] =	stream.indirect.gather [hbm4b:s3+s9], $0x40, s21, s9, $0xb8;
	[tilespmem:$0x15900] =	vst v63  }
0x4a: {  	_ = 	snop  }
0x4b: {  	[hbm4b:s16+s2] =	stream.linear.scatter [tilespmem:s5], [sflag:$0x4], $0xA000, $0x38;
	[tilespmem:$0x15900] =	vst v63  }
0x4c: {  	_ =	swait.ge [sflag:s13], $0xA000  }
0x4d: {  	[sflag:s13] =	ssyncset.done $0x0  }
0x4e: {  	[sflag:s13] =	ssyncadd.s32 $0xFFFF6000  }
0x4f: {  	_ =	swait.ge [sflag:s6], $0xA000  }
0x50: {  	[sflag:s6] =	ssyncset.done $0x0  }
0x51: {  	[sflag:s6] =	ssyncadd.s32 $0xFFFF6000  }
0x52: {  	[tilespmem:s5], [sflag:$0x2] =	stream.indirect.gather [hbm4b:s3+s9], $0x40, s19, s9, $0xb8;
	[tilespmem:$0x15900] =	vst v63  }
0x53: {  	_ = 	snop  }
0x54: {  	[hbm4b:s14+s2] =	stream.linear.scatter [tilespmem:s10], [sflag:$0x3], $0xA000, $0x38;
	[tilespmem:$0x15900] =	vst v63  }
0x55: {  	_ =	swait.ge [sflag:s11], $0xA000  }
0x56: {  	[sflag:s11] =	ssyncset.done $0x0  }
0x57: {  	[sflag:s11] =	ssyncadd.s32 $0xFFFF6000  }
0x58: {  	_ =	swait.ge [sflag:s8], $0xA000  }
0x59: {  	[sflag:s8] =	ssyncset.done $0x0  }
0x5a: {  	[sflag:s8] =	ssyncadd.s32 $0xFFFF6000  }
0x5b: {  	[tilespmem:s10], [sflag:$0x1] =	stream.indirect.gather [hbm4b:s3+s9], $0x40, s17, s9, $0xb8;
	[tilespmem:$0x15900] =	vst v63  }
0x5c: {  	_ = 	snop  }
0x5d: {  	[hbm4b:s12+s2] =	stream.linear.scatter [tilespmem:s5], [sflag:$0x4], $0xA000, $0x38;
	[tilespmem:$0x15900] =	vst v63  }
0x5e: {  	_ =	swait.ge [sflag:s13], $0xA000  }
0x5f: {  	[sflag:s13] =	ssyncset.done $0x0  }
0x60: {  	[sflag:s13] =	ssyncadd.s32 $0xFFFF6000  }
0x61: {  	_ =	swait.ge [sflag:s6], $0xA000  }
0x62: {  	[sflag:s6] =	ssyncset.done $0x0  }
0x63: {  	[sflag:s6] =	ssyncadd.s32 $0xFFFF6000  }
0x64: {  	[tilespmem:s5], [sflag:$0x2] =	stream.indirect.gather [hbm4b:s3+s9], $0x40, s15, s9, $0xb8;
	[tilespmem:$0x15900] =	vst v63  }
0x65: {  	_ = 	snop  }
0x66: {  	[hbm4b:s7+s2] =	stream.linear.scatter [tilespmem:s10], [sflag:$0x3], $0xA000, $0x38;
	[tilespmem:$0x15900] =	vst v63  }
0x67: {  	_ =	swait.ge [sflag:s11], $0xA000  }
0x68: {  	[sflag:s11] =	ssyncset.done $0x0  }
0x69: {  	[sflag:s11] =	ssyncadd.s32 $0xFFFF6000  }
0x6a: {  	p1 =	sne.s32 s31, $0x1;
	_ =	swait.ge [sflag:s8], $0xA000  }
.Ltmp1:
0x6b: {  	[sflag:s8] =	ssyncset.done $0x0;
	(pc) =	sbr.rel @!p1 .LBB2_3-.Ltmp1, $4  }
0x6c: {  	[sflag:s8] =	ssyncadd.s32 $0xFFFF6000  }
0x6d: {  	[hbm4b:s4+s2] =	stream.linear.scatter [tilespmem:s5], [sflag:$0x4], $0xA000, $0x38;
	[tilespmem:$0x15900] =	vst v63  }
0x6e: {  	s31 =	sadd.s32 $0xFFFFFFFF, s31;
	_ =	swait.ge [sflag:s6], $0xA000  }
0x6f: {  	p0 =	por $0x1, $0x1;
	s1 =	rddreg [dreg:$0x3];
	[sflag:s6] =	ssyncset.done $0x0  }
.LBB2_2:
0x70: {  	[sflag:s6] =	ssyncadd.s32 $0xFFFF6000  }
0x71: {  	[tilespmem:s2], [sflag:$0x5] =	stream.linear.gather [hbm4b:s1+s2], $0x1900, $0x38;
	[tilespmem:$0x15900] =	vst v63  }
0x72: {  	_ =	swait.ge [sflag:s30], $0x1900  }
0x73: {  	[sflag:s30] =	ssyncset.done $0x0  }
0x74: {  	[sflag:s30] =	ssyncadd.s32 $0xFFFFE700  }
0x75: {  	[tilespmem:s10], [sflag:$0x1] =	stream.indirect.gather [hbm4b:s3+s9], $0x40, s2, s9, $0xb8;
	[tilespmem:$0x15900] =	vst v63  }
0x76: {  	_ = 	snop  }
0x77: {  	[tilespmem:s5], [sflag:$0x2] =	stream.indirect.gather [hbm4b:s3+s9], $0x40, s9, s9, $0xb8;
	[tilespmem:$0x15900] =	vst v63  }
0x78: {  	_ =	swait.ge [sflag:s13], $0xA000  }
0x79: {  	[sflag:s13] =	ssyncset.done $0x0  }
0x7a: {  	[sflag:s13] =	ssyncadd.s32 $0xFFFF6000  }
0x7b: {  	[hbm4b:s26+s2] =	stream.linear.scatter [tilespmem:s10], [sflag:$0x3], $0xA000, $0x38;
	[tilespmem:$0x15900] =	vst v63  }
0x7c: {  	_ =	swait.ge [sflag:s11], $0xA000  }
0x7d: {  	[sflag:s11] =	ssyncset.done $0x0  }
0x7e: {  	[sflag:s11] =	ssyncadd.s32 $0xFFFF6000  }
0x7f: {  	_ =	swait.ge [sflag:s8], $0xA000  }
0x80: {  	[sflag:s8] =	ssyncset.done $0x0  }
0x81: {  	[sflag:s8] =	ssyncadd.s32 $0xFFFF6000  }
0x82: {  	[tilespmem:s10], [sflag:$0x1] =	stream.indirect.gather [hbm4b:s3+s9], $0x40, s29, s9, $0xb8;
	[tilespmem:$0x15900] =	vst v63  }
0x83: {  	_ = 	snop  }
0x84: {  	[hbm4b:s24+s2] =	stream.linear.scatter [tilespmem:s5], [sflag:$0x4], $0xA000, $0x38;
	[tilespmem:$0x15900] =	vst v63  }
0x85: {  	_ =	swait.ge [sflag:s13], $0xA000  }
0x86: {  	[sflag:s13] =	ssyncset.done $0x0  }
0x87: {  	[sflag:s13] =	ssyncadd.s32 $0xFFFF6000  }
0x88: {  	_ =	swait.ge [sflag:s6], $0xA000  }
0x89: {  	[sflag:s6] =	ssyncset.done $0x0  }
0x8a: {  	[sflag:s6] =	ssyncadd.s32 $0xFFFF6000  }
0x8b: {  	[tilespmem:s5], [sflag:$0x2] =	stream.indirect.gather [hbm4b:s3+s9], $0x40, s28, s9, $0xb8;
	[tilespmem:$0x15900] =	vst v63  }
0x8c: {  	_ = 	snop  }
0x8d: {  	[hbm4b:s22+s2] =	stream.linear.scatter [tilespmem:s10], [sflag:$0x3], $0xA000, $0x38;
	[tilespmem:$0x15900] =	vst v63  }
0x8e: {  	_ =	swait.ge [sflag:s11], $0xA000  }
0x8f: {  	[sflag:s11] =	ssyncset.done $0x0  }
0x90: {  	[sflag:s11] =	ssyncadd.s32 $0xFFFF6000  }
0x91: {  	_ =	swait.ge [sflag:s8], $0xA000  }
0x92: {  	[sflag:s8] =	ssyncset.done $0x0  }
0x93: {  	[sflag:s8] =	ssyncadd.s32 $0xFFFF6000  }
0x94: {  	[tilespmem:s10], [sflag:$0x1] =	stream.indirect.gather [hbm4b:s3+s9], $0x40, s25, s9, $0xb8;
	[tilespmem:$0x15900] =	vst v63  }
0x95: {  	_ = 	snop  }
0x96: {  	[hbm4b:s20+s2] =	stream.linear.scatter [tilespmem:s5], [sflag:$0x4], $0xA000, $0x38;
	[tilespmem:$0x15900] =	vst v63  }
0x97: {  	_ =	swait.ge [sflag:s13], $0xA000  }
0x98: {  	[sflag:s13] =	ssyncset.done $0x0  }
0x99: {  	[sflag:s13] =	ssyncadd.s32 $0xFFFF6000  }
0x9a: {  	_ =	swait.ge [sflag:s6], $0xA000  }
0x9b: {  	[sflag:s6] =	ssyncset.done $0x0  }
0x9c: {  	[sflag:s6] =	ssyncadd.s32 $0xFFFF6000  }
0x9d: {  	[tilespmem:s5], [sflag:$0x2] =	stream.indirect.gather [hbm4b:s3+s9], $0x40, s23, s9, $0xb8;
	[tilespmem:$0x15900] =	vst v63  }
0x9e: {  	_ = 	snop  }
0x9f: {  	[hbm4b:s18+s2] =	stream.linear.scatter [tilespmem:s10], [sflag:$0x3], $0xA000, $0x38;
	[tilespmem:$0x15900] =	vst v63  }
0xa0: {  	_ =	swait.ge [sflag:s11], $0xA000  }
0xa1: {  	[sflag:s11] =	ssyncset.done $0x0  }
0xa2: {  	[sflag:s11] =	ssyncadd.s32 $0xFFFF6000  }
0xa3: {  	_ =	swait.ge [sflag:s8], $0xA000  }
0xa4: {  	[sflag:s8] =	ssyncset.done $0x0  }
0xa5: {  	[sflag:s8] =	ssyncadd.s32 $0xFFFF6000  }
0xa6: {  	[tilespmem:s10], [sflag:$0x1] =	stream.indirect.gather [hbm4b:s3+s9], $0x40, s21, s9, $0xb8;
	[tilespmem:$0x15900] =	vst v63  }
0xa7: {  	_ = 	snop  }
0xa8: {  	[hbm4b:s16+s2] =	stream.linear.scatter [tilespmem:s5], [sflag:$0x4], $0xA000, $0x38;
	[tilespmem:$0x15900] =	vst v63  }
0xa9: {  	_ =	swait.ge [sflag:s13], $0xA000  }
0xaa: {  	[sflag:s13] =	ssyncset.done $0x0  }
0xab: {  	[sflag:s13] =	ssyncadd.s32 $0xFFFF6000  }
0xac: {  	_ =	swait.ge [sflag:s6], $0xA000  }
0xad: {  	[sflag:s6] =	ssyncset.done $0x0  }
0xae: {  	[sflag:s6] =	ssyncadd.s32 $0xFFFF6000  }
0xaf: {  	[tilespmem:s5], [sflag:$0x2] =	stream.indirect.gather [hbm4b:s3+s9], $0x40, s19, s9, $0xb8;
	[tilespmem:$0x15900] =	vst v63  }
0xb0: {  	_ = 	snop  }
0xb1: {  	[hbm4b:s14+s2] =	stream.linear.scatter [tilespmem:s10], [sflag:$0x3], $0xA000, $0x38;
	[tilespmem:$0x15900] =	vst v63  }
0xb2: {  	_ =	swait.ge [sflag:s11], $0xA000  }
0xb3: {  	[sflag:s11] =	ssyncset.done $0x0  }
0xb4: {  	[sflag:s11] =	ssyncadd.s32 $0xFFFF6000  }
0xb5: {  	_ =	swait.ge [sflag:s8], $0xA000  }
0xb6: {  	[sflag:s8] =	ssyncset.done $0x0  }
0xb7: {  	[sflag:s8] =	ssyncadd.s32 $0xFFFF6000  }
0xb8: {  	[tilespmem:s10], [sflag:$0x1] =	stream.indirect.gather [hbm4b:s3+s9], $0x40, s17, s9, $0xb8;
	[tilespmem:$0x15900] =	vst v63  }
0xb9: {  	_ = 	snop  }
0xba: {  	[hbm4b:s12+s2] =	stream.linear.scatter [tilespmem:s5], [sflag:$0x4], $0xA000, $0x38;
	[tilespmem:$0x15900] =	vst v63  }
0xbb: {  	_ =	swait.ge [sflag:s13], $0xA000  }
0xbc: {  	[sflag:s13] =	ssyncset.done $0x0  }
0xbd: {  	[sflag:s13] =	ssyncadd.s32 $0xFFFF6000  }
0xbe: {  	_ =	swait.ge [sflag:s6], $0xA000  }
0xbf: {  	[sflag:s6] =	ssyncset.done $0x0  }
0xc0: {  	[sflag:s6] =	ssyncadd.s32 $0xFFFF6000  }
0xc1: {  	[tilespmem:s5], [sflag:$0x2] =	stream.indirect.gather [hbm4b:s3+s9], $0x40, s15, s9, $0xb8;
	[tilespmem:$0x15900] =	vst v63  }
0xc2: {  	_ = 	snop  }
0xc3: {  	[hbm4b:s7+s2] =	stream.linear.scatter [tilespmem:s10], [sflag:$0x3], $0xA000, $0x38;
	[tilespmem:$0x15900] =	vst v63  }
0xc4: {  	_ =	swait.ge [sflag:s11], $0xA000  }
0xc5: {  	[sflag:s11] =	ssyncset.done $0x0  }
0xc6: {  	[sflag:s11] =	ssyncadd.s32 $0xFFFF6000  }
0xc7: {  	p1 =	sne.s32 s31, $0x1;
	_ =	swait.ge [sflag:s8], $0xA000  }
.Ltmp2:
0xc8: {  	[sflag:s8] =	ssyncset.done $0x0;
	(pc) =	sbr.rel @p1 .LBB2_2-.Ltmp2, $4  }
0xc9: {  	[sflag:s8] =	ssyncadd.s32 $0xFFFF6000  }
0xca: {  	[hbm4b:s4+s2] =	stream.linear.scatter [tilespmem:s5], [sflag:$0x4], $0xA000, $0x38;
	[tilespmem:$0x15900] =	vst v63  }
0xcb: {  	_ =	swait.ge [sflag:s6], $0xA000  }
0xcc: {  	s31 =	sadd.s32 $0xFFFFFFFF, s31;
	s1 =	rddreg [dreg:$0x3];
	[sflag:s6] =	ssyncset.done $0x0  }
.LBB2_3:
0xcd: {  	[sflag:s6] =	ssyncadd.s32 @p0 $0xFFFF6000  }
0xce: {  	[tilespmem:s2], [sflag:$0x5] =	stream.linear.gather [hbm4b:s1+s2], $0x1900, $0x38;
	[tilespmem:$0x15900] =	vst v63  }
0xcf: {  	_ =	swait.ge [sflag:s30], $0x1900  }
0xd0: {  	[sflag:s30] =	ssyncset.done $0x0  }
0xd1: {  	[sflag:s30] =	ssyncadd.s32 $0xFFFFE700  }
0xd2: {  	[tilespmem:s10], [sflag:$0x1] =	stream.indirect.gather [hbm4b:s3+s9], $0x40, s2, s9, $0xb8;
	[tilespmem:$0x15900] =	vst v63  }
0xd3: {  	_ = 	snop  }
0xd4: {  	[tilespmem:s5], [sflag:$0x2] =	stream.indirect.gather [hbm4b:s3+s9], $0x40, s9, s9, $0xb8;
	[tilespmem:$0x15900] =	vst v63  }
0xd5: {  	_ =	swait.ge [sflag:s13], $0xA000  }
0xd6: {  	[sflag:s13] =	ssyncset.done $0x0  }
0xd7: {  	[sflag:s13] =	ssyncadd.s32 $0xFFFF6000  }
0xd8: {  	[hbm4b:s26+s2] =	stream.linear.scatter [tilespmem:s10], [sflag:$0x3], $0xA000, $0x38;
	[tilespmem:$0x15900] =	vst v63  }
0xd9: {  	_ =	swait.ge [sflag:s11], $0xA000  }
0xda: {  	[sflag:s11] =	ssyncset.done $0x0  }
0xdb: {  	[sflag:s11] =	ssyncadd.s32 $0xFFFF6000  }
0xdc: {  	_ =	swait.ge [sflag:s8], $0xA000  }
0xdd: {  	[sflag:s8] =	ssyncset.done $0x0  }
0xde: {  	[sflag:s8] =	ssyncadd.s32 $0xFFFF6000  }
0xdf: {  	[tilespmem:s10], [sflag:$0x1] =	stream.indirect.gather [hbm4b:s3+s9], $0x40, s29, s9, $0xb8;
	[tilespmem:$0x15900] =	vst v63  }
0xe0: {  	_ = 	snop  }
0xe1: {  	[hbm4b:s24+s2] =	stream.linear.scatter [tilespmem:s5], [sflag:$0x4], $0xA000, $0x38;
	[tilespmem:$0x15900] =	vst v63  }
0xe2: {  	_ =	swait.ge [sflag:s13], $0xA000  }
0xe3: {  	[sflag:s13] =	ssyncset.done $0x0  }
0xe4: {  	[sflag:s13] =	ssyncadd.s32 $0xFFFF6000  }
0xe5: {  	_ =	swait.ge [sflag:s6], $0xA000  }
0xe6: {  	[sflag:s6] =	ssyncset.done $0x0  }
0xe7: {  	[sflag:s6] =	ssyncadd.s32 $0xFFFF6000  }
0xe8: {  	[tilespmem:s5], [sflag:$0x2] =	stream.indirect.gather [hbm4b:s3+s9], $0x40, s28, s9, $0xb8;
	[tilespmem:$0x15900] =	vst v63  }
0xe9: {  	_ = 	snop  }
0xea: {  	[hbm4b:s22+s2] =	stream.linear.scatter [tilespmem:s10], [sflag:$0x3], $0xA000, $0x38;
	[tilespmem:$0x15900] =	vst v63  }
0xeb: {  	_ =	swait.ge [sflag:s11], $0xA000  }
0xec: {  	[sflag:s11] =	ssyncset.done $0x0  }
0xed: {  	[sflag:s11] =	ssyncadd.s32 $0xFFFF6000  }
0xee: {  	_ =	swait.ge [sflag:s8], $0xA000  }
0xef: {  	[sflag:s8] =	ssyncset.done $0x0  }
0xf0: {  	[sflag:s8] =	ssyncadd.s32 $0xFFFF6000  }
0xf1: {  	[tilespmem:s10], [sflag:$0x1] =	stream.indirect.gather [hbm4b:s3+s9], $0x40, s25, s9, $0xb8;
	[tilespmem:$0x15900] =	vst v63  }
0xf2: {  	_ = 	snop  }
0xf3: {  	[hbm4b:s20+s2] =	stream.linear.scatter [tilespmem:s5], [sflag:$0x4], $0xA000, $0x38;
	[tilespmem:$0x15900] =	vst v63  }
0xf4: {  	_ =	swait.ge [sflag:s13], $0xA000  }
0xf5: {  	[sflag:s13] =	ssyncset.done $0x0  }
0xf6: {  	[sflag:s13] =	ssyncadd.s32 $0xFFFF6000  }
0xf7: {  	_ =	swait.ge [sflag:s6], $0xA000  }
0xf8: {  	[sflag:s6] =	ssyncset.done $0x0  }
0xf9: {  	[sflag:s6] =	ssyncadd.s32 $0xFFFF6000  }
0xfa: {  	[tilespmem:s5], [sflag:$0x2] =	stream.indirect.gather [hbm4b:s3+s9], $0x40, s23, s9, $0xb8;
	[tilespmem:$0x15900] =	vst v63  }
0xfb: {  	_ = 	snop  }
0xfc: {  	[hbm4b:s18+s2] =	stream.linear.scatter [tilespmem:s10], [sflag:$0x3], $0xA000, $0x38;
	[tilespmem:$0x15900] =	vst v63  }
0xfd: {  	_ =	swait.ge [sflag:s11], $0xA000  }
0xfe: {  	[sflag:s11] =	ssyncset.done $0x0  }
0xff: {  	[sflag:s11] =	ssyncadd.s32 $0xFFFF6000  }
0x100: {  	_ =	swait.ge [sflag:s8], $0xA000  }
0x101: {  	[sflag:s8] =	ssyncset.done $0x0  }
0x102: {  	[sflag:s8] =	ssyncadd.s32 $0xFFFF6000  }
0x103: {  	[tilespmem:s10], [sflag:$0x1] =	stream.indirect.gather [hbm4b:s3+s9], $0x40, s21, s9, $0xb8;
	[tilespmem:$0x15900] =	vst v63  }
0x104: {  	_ = 	snop  }
0x105: {  	[hbm4b:s16+s2] =	stream.linear.scatter [tilespmem:s5], [sflag:$0x4], $0xA000, $0x38;
	[tilespmem:$0x15900] =	vst v63  }
0x106: {  	_ =	swait.ge [sflag:s13], $0xA000  }
0x107: {  	[sflag:s13] =	ssyncset.done $0x0  }
0x108: {  	[sflag:s13] =	ssyncadd.s32 $0xFFFF6000  }
0x109: {  	_ =	swait.ge [sflag:s6], $0xA000  }
0x10a: {  	[sflag:s6] =	ssyncset.done $0x0  }
0x10b: {  	[sflag:s6] =	ssyncadd.s32 $0xFFFF6000  }
0x10c: {  	[tilespmem:s5], [sflag:$0x2] =	stream.indirect.gather [hbm4b:s3+s9], $0x40, s19, s9, $0xb8;
	[tilespmem:$0x15900] =	vst v63  }
0x10d: {  	_ = 	snop  }
0x10e: {  	[hbm4b:s14+s2] =	stream.linear.scatter [tilespmem:s10], [sflag:$0x3], $0xA000, $0x38;
	[tilespmem:$0x15900] =	vst v63  }
0x10f: {  	_ =	swait.ge [sflag:s11], $0xA000  }
0x110: {  	[sflag:s11] =	ssyncset.done $0x0  }
0x111: {  	[sflag:s11] =	ssyncadd.s32 $0xFFFF6000  }
0x112: {  	_ =	swait.ge [sflag:s8], $0xA000  }
0x113: {  	[sflag:s8] =	ssyncset.done $0x0  }
0x114: {  	[sflag:s8] =	ssyncadd.s32 $0xFFFF6000  }
0x115: {  	[tilespmem:s10], [sflag:$0x1] =	stream.indirect.gather [hbm4b:s3+s9], $0x40, s17, s9, $0xb8;
	[tilespmem:$0x15900] =	vst v63  }
0x116: {  	_ = 	snop  }
0x117: {  	[hbm4b:s12+s2] =	stream.linear.scatter [tilespmem:s5], [sflag:$0x4], $0xA000, $0x38;
	[tilespmem:$0x15900] =	vst v63  }
0x118: {  	_ =	swait.ge [sflag:s13], $0xA000  }
0x119: {  	[sflag:s13] =	ssyncset.done $0x0  }
0x11a: {  	[sflag:s13] =	ssyncadd.s32 $0xFFFF6000  }
0x11b: {  	_ =	swait.ge [sflag:s6], $0xA000  }
0x11c: {  	[sflag:s6] =	ssyncset.done $0x0  }
0x11d: {  	[sflag:s6] =	ssyncadd.s32 $0xFFFF6000  }
0x11e: {  	[tilespmem:s5], [sflag:$0x2] =	stream.indirect.gather [hbm4b:s3+s9], $0x40, s15, s9, $0xb8;
	[tilespmem:$0x15900] =	vst v63  }
0x11f: {  	_ = 	snop  }
0x120: {  	[hbm4b:s7+s2] =	stream.linear.scatter [tilespmem:s10], [sflag:$0x3], $0xA000, $0x38;
	[tilespmem:$0x15900] =	vst v63  }
0x121: {  	_ =	swait.ge [sflag:s11], $0xA000  }
0x122: {  	[sflag:s11] =	ssyncset.done $0x0  }
0x123: {  	[sflag:s11] =	ssyncadd.s32 $0xFFFF6000  }
0x124: {  	_ =	swait.ge [sflag:s8], $0xA000  }
0x125: {  	[sflag:s8] =	ssyncset.done $0x0  }
0x126: {  	[sflag:s8] =	ssyncadd.s32 $0xFFFF6000  }
0x127: {  	[hbm4b:s4+s2] =	stream.linear.scatter [tilespmem:s5], [sflag:$0x4], $0xA000, $0x38;
	[tilespmem:$0x15900] =	vst v63  }
0x128: {  	_ =	swait.ge [sflag:s6], $0xA000  }
0x129: {  	[sflag:s6] =	ssyncset.done $0x0  }
0x12a: {  	[sflag:s6] =	ssyncadd.s32 $0xFFFF6000  }
0x12b: {  	_ =	sfence.sel $0x180000  }
0x12c: {  	[bflag:$0x0] =	sbarrier.arrive $0xFFFF  }
0x12d: {  	_ =	strace $0x90000047  }
0x12e: {  	[bflag:$0x2] =	sbarrier.arrive $0xFFFF  }
0x12f: {  	p0 =	sne.s32 s0, $0x0;
	s0 =	rddreg [dreg:$0x2]  }
0x130: {  	s0 =	sadd.s32 @!p0 $0x100000, s0  }
0x131: {  	[sflag:s0] =	ssyncadd.tile.s32 @!p0 $0x1;
	_ =	shalt  }
.Lfunc_end2:
_tile_overlayer_lowered:
.L_overlay_start_2:
0x132: {  	(tag) =	ssettag $0x2  }
0x133: {  	s0 =	rddreg [dreg:$0x0];
	s2 =	stileid.u32  }
0x134: {  	s1 =	rddreg [dreg:$0x1];
	p0 =	sne.s32 s2, $0x0  }
0x135: {  	s3 =	rddreg [dreg:$0x2];
	[bflag:$0x3] =	sbarrier.arrive $0xFFFF;
	s2 =	simm.s32 @!p0 $0x1C05  }
0x136: {  	[timem:s3], [sflag:s2] =	dma.local @!p0 [hbm:s0], s1  }
0x137: {  	s0 =	simm.s32 @!p0 $0x5  }
0x138: {  	_ =	swait.ge @!p0 [sflag:s0], s1  }
0x139: {  	s1 =	ssub.s32 @!p0 $0x0, s1;
	[sflag:s0] =	ssyncset.done @!p0 $0x0  }
0x13a: {  	[sflag:s0] =	ssyncadd.s32 @!p0 s1  }
0x13b: {  	[bflag:$0x3] =	sbarrier.arrive $0xFFFF  }
0x13c: {  	_ =	shalt  }

// kernel: sparse-core-data-format-call.cloned.1.call-start
scs
called_computation_lowered:
.L_overlay_start_0:
0x0: {  	s2 =	sld [smem:$0x3FD9]  }
0x1: {  	s3 =	sld [smem:$0x3FFE];
	_ =	sdelay $0x1  }
0x2: {  	s1 =	srdreg.scid  }
0x3: {  	s0 =	sand.u32 $0x1, s1  }
0x4: {  	s18 =	sshll.u32 s0, $0xA;
	s2 =	sadd.s32 s3, s2  }
0x5: {  	s2 =	sadd.s32 s2, s18  }
0x6: {  	[smem:$0x3FC6] =	sst s2  }
0x7: {  	_ = 	snop  }
0x8: {  	s2 =	sld [smem:$0x3FD0];
	(tm) =	ssettm $0x1  }
0x9: {  	s19 =	sld [smem:$0x3FFB];
	_ =	sdelay $0x3  }
0xa: {  	_ =	strace s19  }
0xb: {  	s3 =	sld [smem:$0x3FFC];
	_ =	sdelay $0x3  }
0xc: {  	_ =	strace s3  }
0xd: {  	s3 =	sld [smem:$0x3FFD];
	_ =	sdelay $0x3  }
0xe: {  	_ =	strace s3  }
0xf: {  	_ =	strace $0x8FFFFFFF  }
0x10: {  	s20 =	sld [smem:$0x3FDB];
	_ =	sdelay $0x1  }
0x11: {  	s4 =	simm.s32 $_scs_section_size  }
0x12: {  	s5 =	simm.s32 $_size__tile_overlayer_lowered;
	s6 =	simm.s32 $_tile_overlayer_lowered  }
0x13: {  	s23 =	simm.s32 $0x1BFF;
	s22 =	sshll.u32 s6, $0x1;
	s3 =	sadd.s32 s4, s20  }
0x14: {  	s7 =	simm.s32 $0x0;
	s21 =	sshll.u32 s5, $0x1;
	s5 =	sadd.s32 s22, s3  }
0x15: {  	[timem:s7], [sflag:s23] =	dma.local [hbm:s5], s21  }
0x16: {  	_ =	swait.ge [sflag:s23], s21  }
0x17: {  	s4 =	ssub.s32 $0x0, s21;
	[sflag:s23] =	ssyncset.done $0x0  }
0x18: {  	[sflag:s23] =	ssyncadd.s32 s4;
	_ =	sdelay $0x1  }
0x19: {  	s24 =	simm.s32 $0x1B8B  }
0x1a: {  	_ =	swait.ge [sflag:s24], $0x1  }
0x1b: {  	[sflag:s24] =	ssyncset.done $0x0  }
0x1c: {  	s26 =	simm.s32 $0x1B8E;
	s25 =	sld [smem:$0x3FFE];
	[sflag:s24] =	ssyncadd.s32 $0xFFFFFFFF  }
0x1d: {  	s27 =	simm.s32 $execute0_lowered;
	[smem:$0x3FD2] =	sst s26  }
0x1e: {  	s5 =	sshll.u32 s27, $0x1;
	_ =	strace $0x80000049;
	[dreg:$0x1] =	wrdreg $0xFFFFFFFF  }
0x1f: {  	s28 =	simm.s32 $_size_execute0_lowered;
	s3 =	sadd.s32 s3, s5;
	[dreg:$0x0] =	wrdreg $0x0  }
0x20: {  	s5 =	sshll.u32 s28, $0x1;
	[dreg:$0x2] =	wrdreg s3  }
0x21: {  	[dreg:$0x3] =	wrdreg s5  }
0x22: {  	[dreg:$0x4] =	wrdreg $0xC0  }
0x23: {  	_ =	task [dreg:s7], $0x5FFFF  }
0x24: {  	[dreg:$0x1] =	wrdreg $0xFFFFFFFF  }
0x25: {  	[dreg:$0x0] =	wrdreg $0x60  }
0x26: {  	[dreg:$0x2] =	wrdreg s25  }
0x27: {  	[dreg:$0x3] =	wrdreg s2  }
0x28: {  	[dreg:$0x4] =	wrdreg $0x9  }
0x29: {  	_ =	task.clear_ibuf [dreg:s7], $0x5FFFF;
	_ =	strace $0x90000049  }
0x2a: {  	s29 =	simm.s32 $0x9;
	_ =	strace $0x8000004B  }
0x2b: {  	_ =	swait.ge [sflag:s29], $0x1  }
0x2c: {  	[sflag:s29] =	ssyncadd.s32 $0xFFFFFFFF  }
0x2d: {  	_ =	strace $0x9000004B  }
0x2e: {  	_ =	sfence  }
0x2f: {  	s30 =	sld [smem:$0x0];
	_ =	sdelay $0x2  }
0x30: {  	s31 =	sshll.u32 s1, $0xD;
	s1 =	sshrl.u32 s1, $0x2  }
0x31: {  	s3 =	sand.u32 $0x4000, s31;
	s1 =	sadd.s32 s1, s30  }
0x32: {  	s0 =	sor.u32 s3, s0;
	s1 =	sshll.u32 s1, $0x11  }
0x33: {  	s0 =	sor.u32 s1, s0  }
0x34: {  	s0 =	sadd.s32 $0x8F2B, s0  }
0x35: {  	[sflag:s0] =	ssyncadd.remote.s32 $0x1  }
0x36: {  	_ =	sfence.sel $0xFFFF  }
0x37: {  	[dreg:$0x0] =	wrdreg $0xFFFFFFFF;
	(pc) =	sbr.abs _section_cstart, $3  }
0x38: {  	[dreg:$0x1] =	wrdreg $0xFFFFFFFF  }
0x39: {  	_ =	task.clear_ibuf [dreg:s7], $0x2FFFF;
	_ =	strace $0x9FFFFFFF  }
0x3a: {  	(tm) =	ssettm $0x7FFFFFFF  }
0x3b: {  	_ =	shalt  }
tec
execute0_lowered:
.L_overlay_start_1:
0x0: {  	(tag) =	ssettag $0x1  }
0x1: {  	s0 =	srdreg.scid  }
0x2: {  	s1 =	sshll.u32 s0, $0x4  }
0x3: {  	s0 =	stileid.u32;
	s1 =	sand.u32 $0x10, s1  }
0x4: {  	s1 =	sor.u32 s0, s1  }
0x5: {  	s6 =	rddreg [dreg:$0x0];
	s4 =	simm.s32 $0x1;
	s2 =	sshll.u32 s1, $0x7  }
0x6: {  	s7 =	simm.s32 $0x2;
	s12 =	simm.s32 $0x0;
	s1 =	ssub.s32 $0x1000, s2  }
0x7: {  	s8 =	simm.s32 $0x8000;
	s13 =	simm.s32 $0x0;
	s3 =	sand.u32 $0xF80, s1  }
0x8: {  	s9 =	simm.s32 $0x0;
	s5 =	sshrl.u32 s1, $0xC;
	p0 =	sne.s32 s3, $0x0  }
.Ltmp0:
0x9: {  	s1 =	rddreg [dreg:$0x2];
	s4 =	simm.s32 @!p0 $0x0;
	(pc) =	sbr.rel .LBB1_1-.Ltmp0, $4  }
0xa: {  	s11 =	simm.s32 $0x0;
	s3 =	rddreg [dreg:$0x1];
	s5 =	sadd.s32 s4, s5  }
0xb: {  	_ =	strace $0x8000004A;
	s4 =	simm.s32 $0x1;
	s5 =	smul.u32 $0x32, s5  }
0xc: {  	s6 =	sadd.s32 $0x800, s6;
	s10 =	smov.u32 s2;
	[sflag:s4] =	ssyncpa.u1 $0x0  }
0xd: {  	p0 =	por $0x0, $0x0;
	[sflag:s7] =	ssyncpa.u1 $0x0;
	s7 =	sor.u32 $0x1, s5  }
.LBB1_4:
0xe: {  	s16 =	sshll.u32 s13, $0x3;
	s17 =	sand.u32 $0x78, s13  }
0xf: {  	s30 =	sand.u32 $0x7E00, s13;
	s12 =	sshll.u32 s12, $0xF;
	s16 =	sand.u32 $0xC00, s16  }
0x10: {  	[tilespmem:s15+$0x810 ss:$0x81] =	vst.msk $0xffff, v2;
	s31 =	sand.u32 $0x7, s13;
	s16 =	sor.u32 s17, s16;
	s17 =	sadd.s32 s3, s30  }
0x11: {  	[tilespmem:s15+$0x1020 ss:$0x81] =	vst.msk $0xffff, v0;
	s13 =	sshll.u32 s31, $0x12;
	s12 =	sadd.s32 s12, s17;
	s16 =	sshrl.u32 s16, $0x3  }
0x12: {  	[tilespmem:s15+$0x0 ss:$0x81] =	vst.msk $0xffff, v1;
	s13 =	sor.u32 $0x400, s13;
	s12 =	sadd.s32 s16, s12  }
0x13: {  	[hbm4b:s12+s13] =	stream.strided.scatter [tilespmem:s14], [sflag:$0x2], $0x2000, s8, s13, $0x20;
	[tilespmem:$0x8080] =	vst v63  }
.LBB1_5:
0x14: {  	s14 =	sadd.s32 $0x1, s9  }
0x15: {  	s12 =	sadd.s32 $0x1000, s10;
	s16 =	smov.u32 s10;
	p2 =	sgt.s32 s14, $0x31  }
0x16: {  	s16 =	smov.u32 @p2 s12  }
0x17: {  	s14 =	simm.s32 @p2 $0x0;
	p2 =	sgt.s32 s16, $0xFFF  }
0x18: {  	s16 =	smov.u32 @p2 s2;
	p2 =	sne.s32 s11, s7  }
.Ltmp1:
0x19: {  	p1 =	slt.u32 s11, $0x2;
	(pc) =	sbr.rel @!p2 .LBB1_6-.Ltmp1, $4  }
0x1a: {  	s15 =	simm.s32 @!p1 $0x2  }
0x1b: {  	s13 =	smov.u32 s10;
	p0 =	por !p0, !p0;
	_ =	swait.ge @!p1 [sflag:s15], $0x2000  }
0x1c: {  	s12 =	smov.u32 s9;
	[sflag:s15] =	ssyncset.done @!p1 $0x0;
	s9 =	smov.u32 s14  }
0x1d: {  	s11 =	sadd.s32 $0x1, s11;
	[sflag:s15] =	ssyncadd.s32 @!p1 $0xFFFFE000;
	s10 =	smov.u32 s16  }
.LBB1_1:
0x1e: {  	p1 =	sge.u32 s11, s5  }
0x1f: {  	s14 =	sand.u32 @!p1 $0x1FFFFFF, s9  }
0x20: {  	s15 =	smulhi.u32 @!p1 $0x4924925, s14;
	_ =	sdelay $0x1  }
0x21: {  	s15 =	smul.u32 @!p1 $0x38, s15  }
0x22: {  	s16 =	sxor.u32 @!p1 $0xFFFFFFFF, s11;
	s17 =	smul.u32 @!p1 $0x380, s10  }
0x23: {  	s31 =	sadd.s32 $0xFFFFFFFF, s11;
	s16 =	sshll.u32 @!p1 s16, $0xD;
	s14 =	ssub.s32 @!p1 s14, s15  }
0x24: {  	s15 =	sand.u32 @!p1 $0x2000, s16;
	s16 =	sadd.s32 @!p1 s6, s17;
	s14 =	sshll.u32 @!p1 s14, $0x4  }
0x25: {  	s17 =	simm.s32 @!p1 $0x1C00;
	s14 =	sadd.s32 @!p1 s14, s16;
	s16 =	simm.s32 @!p1 $0x40  }
0x26: {  	[tilespmem:s15], [sflag:$0x1] =	stream.strided.gather @!p1 [hbm4b:s14+s16], $0x2000, s17, s16, $0x38;
	[tilespmem:$0x8080] =	vst v63  }
0x27: {  	p1 =	sge.u32 s31, s5  }
.Ltmp2:
0x28: {  	_ = 	snop;
	(pc) =	sbr.rel @p1 .LBB1_5-.Ltmp2, $1  }
0x29: {  	_ =	sdelay $0x3  }
0x2a: {  	s14 =	simm.s32 $0x1  }
0x2b: {  	_ =	swait.ge [sflag:s4], $0x2000;
	s14 =	simm.s32 @!p0 $0x0  }
0x2c: {  	[sflag:s4] =	ssyncset.done $0x0;
	s15 =	sshll.u32 s14, $0xD  }
0x2d: {  	[sflag:s4] =	ssyncadd.s32 $0xFFFFE000;
	s18 =	sor.u32 $0x20, s15  }
0x2e: {  	s14 =	smul.u32 $0x8100, s14;
	v3 =	vld [tilespmem:s18+$0x10]  }
0x2f: {  	s30 =	sand.u32 $0x1, s11;
	v2 =	vld [tilespmem:s18+$0xFFFFFFF0]  }
0x30: {  	s15 =	smul.u32 $0x8100, s30;
	s14 =	sshrl.u32 s14, $0x2;
	v0 =	vld [tilespmem:s18+$0x0]  }
0x31: {  	v1 =	vld [tilespmem:s18+$0xFFFFFFE0];
	s16 =	sor.u32 $0x4000, s14  }
0x32: {  	s31 =	sshrl.u32 s15, $0x2;
	s15 =	sadd.s32 $0x0, s16  }
0x33: {  	s17 =	simm.s32 $0x4;
	s18 =	sadd.s32 $0x40, s18;
	s14 =	sor.u32 $0x4000, s31;
	[tilespmem:s15+$0x1830 ss:$0x81] =	vst.msk $0xffff, v3  }
.LBB1_3:
0x34: {  	v3 =	vld [tilespmem:s18+$0x10];
	p1 =	sne.s32 s17, $0x1FC;
	[tilespmem:s15+$0x810 ss:$0x81] =	vst.msk $0xffff, v2;
	s19 =	smov.u32 s17;
	s17 =	sadd.s32 $0x4, s17  }
.Ltmp3:
0x35: {  	v2 =	vld [tilespmem:s18+$0xFFFFFFF0];
	[tilespmem:s15+$0x1020 ss:$0x81] =	vst.msk $0xffff, v0;
	(pc) =	sbr.rel @p1 .LBB1_3-.Ltmp3, $4  }
0x36: {  	v0 =	vld [tilespmem:s18+$0x0];
	[tilespmem:s15+$0x0 ss:$0x81] =	vst.msk $0xffff, v1  }
0x37: {  	s15 =	sshra.s32 s19, $0x2;
	v1 =	vld [tilespmem:s18+$0xFFFFFFE0]  }
0x38: {  	s15 =	sadd.s32 s15, s16  }
0x39: {  	s18 =	sadd.s32 $0x40, s18;
	[tilespmem:s15+$0x1830 ss:$0x81] =	vst.msk $0xffff, v3  }
.Ltmp4:
0x3a: {  	_ = 	snop;
	(pc) =	sbr.rel .LBB1_4-.Ltmp4, $1  }
0x3b: {  	_ =	sdelay $0x3  }
.LBB1_6:
0x3c: {  	_ =	sfence.sel $0x180000  }
0x3d: {  	s2 =	simm.s32 $0x1;
	[bflag:$0x0] =	sbarrier.arrive $0xFFFF  }
0x3e: {  	s31 =	simm.s32 $0x2;
	[sflag:s2] =	ssyncpa.u1 $0x1  }
0x3f: {  	[sflag:s31] =	ssyncpa.u1 $0x1  }
0x40: {  	p0 =	sne.s32 s0, $0x0;
	_ =	strace $0x9000004A  }
0x41: {  	s0 =	sadd.s32 @!p0 $0x100000, s1;
	[bflag:$0x2] =	sbarrier.arrive $0xFFFF  }
0x42: {  	[sflag:s0] =	ssyncadd.tile.s32 @!p0 $0x1;
	_ =	shalt  }
.Lfunc_end1:
_tile_overlayer_lowered:
.L_overlay_start_2:
0x43: {  	(tag) =	ssettag $0x2  }
0x44: {  	s0 =	rddreg [dreg:$0x0];
	s2 =	stileid.u32  }
0x45: {  	s1 =	rddreg [dreg:$0x1];
	p0 =	sne.s32 s2, $0x0  }
0x46: {  	s3 =	rddreg [dreg:$0x2];
	[bflag:$0x3] =	sbarrier.arrive $0xFFFF;
	s2 =	simm.s32 @!p0 $0x1C01  }
0x47: {  	[timem:s3], [sflag:s2] =	dma.local @!p0 [hbm:s0], s1  }
0x48: {  	s0 =	simm.s32 @!p0 $0x1  }
0x49: {  	_ =	swait.ge @!p0 [sflag:s0], s1  }
0x4a: {  	s1 =	ssub.s32 @!p0 $0x0, s1;
	[sflag:s0] =	ssyncset.done @!p0 $0x0  }
0x4b: {  	[sflag:s0] =	ssyncadd.s32 @!p0 s1  }
0x4c: {  	[bflag:$0x3] =	sbarrier.arrive $0xFFFF  }
0x4d: {  	_ =	shalt  }

</sc_bundles>
